<compile_context>
chip_gen: v7x
topology: tpu7x:2x2x1
jax: 0.10.2.dev20260603
libtpu: 0.0.44.dev20260713+nightly
codegen_flags: <defaults>
</compile_context>

<pallas_src>
import functools

import jax
import jax.numpy as jnp
from jax import lax
from jax.experimental import pallas as pl
from jax.experimental.pallas import tpu as pltpu
from jax.experimental.pallas import tpu_sc as plsc

NS = 16
L = 16
B1 = 1024
B2 = 2048
SH1 = 21
SH2 = 10
UNR = 8


def _scan_hist(h_ref, mrank, nchunks, s_ref=None):
    zi = jnp.zeros((L,), jnp.int32)
    zf = jnp.zeros((L,), jnp.float32)

    def it(j, carry):
        run, nbv, pv, sv = carry
        c0 = plsc.cumsum(h_ref[0, pl.ds((2 * j) * L, L)])
        c1 = plsc.cumsum(h_ref[0, pl.ds((2 * j + 1) * L, L)])
        cs0 = c0 + run
        run1 = jnp.max(cs0)
        cs1 = c1 + run1
        run2 = jnp.max(cs1)
        m0 = cs0 < mrank
        m1 = cs1 < mrank
        nbv = nbv + m0.astype(jnp.int32) + m1.astype(jnp.int32)
        pv = jnp.maximum(pv, jnp.where(m0, cs0, 0))
        pv = jnp.maximum(pv, jnp.where(m1, cs1, 0))
        if s_ref is not None:
            sv = sv + jnp.where(m0, s_ref[0, pl.ds((2 * j) * L, L)], 0.0)
            sv = sv + jnp.where(m1, s_ref[0, pl.ds((2 * j + 1) * L, L)], 0.0)
        return run2, nbv, pv, sv

    _, nbv, pv, sv = lax.fori_loop(
        0, nchunks // 2, it, (jnp.int32(0), zi, zi, zf))
    return jnp.sum(nbv), jnp.max(pv), jnp.sum(sv)


def _trim_body(pred_hbm, targ_hbm, out_hbm,
               p_v, t_v, h1_v, h2_v, s2_v, sb_v, outb_v, idx0_v,
               sem_p, sem_t,
               sh_h1, sh_h2, sh_s2, sh_sb, *, m, e):
    wid = lax.axis_index("s")
    nch = e // L
    ones = jnp.ones((L,), jnp.int32)
    zero16 = jnp.zeros((L,), jnp.int32)
    zf16 = jnp.zeros((L,), jnp.float32)

    base = wid * e
    cp_p = pltpu.make_async_copy(pred_hbm.at[pl.ds(base, e)], p_v, sem_p)
    cp_t = pltpu.make_async_copy(targ_hbm.at[pl.ds(base, e)], t_v, sem_t)
    cp_p.start()
    cp_t.start()

    def z1(j, _):
        for u in range(UNR):
            h1_v[0, pl.ds((UNR * j + u) * L, L)] = zero16
        return 0
    lax.fori_loop(0, B1 // L // UNR, z1, 0)

    def z2(j, _):
        for u in range(UNR):
            h2_v[0, pl.ds((UNR * j + u) * L, L)] = zero16
            s2_v[0, pl.ds((UNR * j + u) * L, L)] = zf16
        return 0
    lax.fori_loop(0, B2 // L // UNR, z2, 0)
    sb_v[0, pl.ds(0, L)] = zf16

    @pl.when(wid == 0)
    def _():
        pltpu.sync_copy(h1_v, sh_h1)
        pltpu.sync_copy(h2_v, sh_h2)
        pltpu.sync_copy(s2_v, sh_s2)
        pltpu.sync_copy(sb_v, sh_sb)

    plsc.subcore_barrier()
    pltpu.sync_copy(sh_h1.at[0, pl.ds(0, 1)], idx0_v)
    cp_p.wait()
    cp_t.wait()

    def ph0(i, _):
        for u in range(UNR):
            sl = pl.ds((UNR * i + u) * L, L)
            r = jnp.abs(p_v[sl] - t_v[sl])
            p_v[sl] = r
            bits = lax.bitcast_convert_type(r, jnp.int32)
            b1 = bits >> SH1
            plsc.addupdate_scatter(h1_v.at[0], [b1], ones)
        return 0
    lax.fori_loop(0, nch // UNR, ph0, 0)

    plsc.subcore_barrier()
    pltpu.sync_copy(h1_v, sh_h1.at[idx0_v], add=True)
    plsc.subcore_barrier()
    pltpu.sync_copy(sh_h1.at[0], h1_v.at[0])

    b1s, p1, _ = _scan_hist(h1_v, m, B1 // L)

    def ph1(i, sb):
        for u in range(UNR):
            sl = pl.ds((UNR * i + u) * L, L)
            r = p_v[sl]
            bits = lax.bitcast_convert_type(r, jnp.int32)
            b1 = bits >> SH1
            sb = sb + jnp.where(b1 < b1s, r, 0.0)
            inb = b1 == b1s
            b2 = (bits >> SH2) & (B2 - 1)
            plsc.addupdate_scatter(h2_v.at[0], [b2], ones, mask=inb)
            plsc.addupdate_scatter(s2_v.at[0], [b2], r, mask=inb)
        return sb
    sb_acc = lax.fori_loop(0, nch // UNR, ph1, zf16)
    sb_v[0, pl.ds(0, L)] = sb_acc

    plsc.subcore_barrier()
    pltpu.sync_copy(h2_v, sh_h2.at[idx0_v], add=True)
    pltpu.sync_copy(s2_v, sh_s2.at[idx0_v], add=True)
    pltpu.sync_copy(sb_v, sh_sb.at[idx0_v], add=True)
    plsc.subcore_barrier()
    pltpu.sync_copy(sh_h2.at[0], h2_v.at[0])
    pltpu.sync_copy(sh_s2.at[0], s2_v.at[0])

    m2 = m - p1
    b2s, p2, s2sum = _scan_hist(h2_v, m2, B2 // L, s_ref=s2_v)

    @pl.when(wid == 0)
    def _():
        pltpu.sync_copy(sh_sb.at[0], outb_v)
        s_below = jnp.sum(outb_v[pl.ds(0, L)])
        tbits = (b1s << SH1) | (b2s << SH2)
        t = lax.bitcast_convert_type(tbits, jnp.float32)
        total = s_below + s2sum + t * (m - p1 - p2).astype(jnp.float32)
        res = total * jnp.float32(1.0 / m)
        outb_v[pl.ds(0, L)] = jnp.full((L,), 1.0, jnp.float32) * res
        pltpu.sync_copy(outb_v, out_hbm)


def _make_sc_call(n, m):
    e = n // NS
    mesh = plsc.VectorSubcoreMesh(
        core_axis_name="c", subcore_axis_name="s", num_cores=1)
    return pl.kernel(
        functools.partial(_trim_body, m=m, e=e),
        jax.ShapeDtypeStruct((L,), jnp.float32),
        mesh=mesh,
        compiler_params=pltpu.CompilerParams(needs_layout_passes=False),
        scratch_types=[
            pltpu.VMEM((e,), jnp.float32),
            pltpu.VMEM((e,), jnp.float32),
            pltpu.VMEM((1, B1), jnp.int32),
            pltpu.VMEM((1, B2), jnp.int32),
            pltpu.VMEM((1, B2), jnp.float32),
            pltpu.VMEM((1, L), jnp.float32),
            pltpu.VMEM((L,), jnp.float32),
            pltpu.VMEM((1,), jnp.int32),
            pltpu.SemaphoreType.DMA,
            pltpu.SemaphoreType.DMA,
            pltpu.VMEM_SHARED((1, B1), jnp.int32),
            pltpu.VMEM_SHARED((1, B2), jnp.int32),
            pltpu.VMEM_SHARED((1, B2), jnp.float32),
            pltpu.VMEM_SHARED((1, L), jnp.float32),
        ],
    )


def kernel(predictions, targets):
    p = predictions.reshape(-1)
    t = targets.reshape(-1)
    n = p.size
    k = int(0.1 * n)
    m = n - k
    out = _make_sc_call(n, m)(p, t)
    return out[0]

# --- scband reference (transcript-rebuilt; emitter-appended) ---
"""Pipeline reference for scband-trimmed-loss-56573309223793 (READ-ONLY COPY).

The authoritative reference and input builder live on the scoring server;
editing this copy changes nothing except your own understanding.
"""

import jax, jax.numpy as jnp
import numpy as np

TRIM_FRACTION = 0.1
REDUCTION = 'mean'


def setup_inputs(seed: int = 0) -> dict:
    key = jax.random.key(seed)
    k1, k2 = jax.random.split(key)
    predictions = jax.random.normal(k1, (64, 8192), dtype=jnp.float32)
    targets = jax.random.normal(k2, (64, 8192), dtype=jnp.float32)
    return {"predictions": predictions, "targets": targets}


def reference(predictions, targets):
    residuals = jnp.abs(predictions - targets)
    if predictions.ndim > 1:
        residuals = residuals.reshape(-1)
        n = residuals.shape[0]
        k = int(TRIM_FRACTION * n)
        if k > 0:
            # torch.topk(residuals, n - k, largest=False): smallest n-k residuals
            neg_vals, _ = jax.lax.top_k(-residuals, n - k)
            loss = -neg_vals
        else:
            loss = residuals
    else:
        n = residuals.shape[0]
        k = int(TRIM_FRACTION * n)
        if k > 0:
            sorted_res = jnp.sort(residuals)
            loss = sorted_res[k:]
        else:
            loss = residuals
    if REDUCTION == 'mean':
        return loss.mean()
    elif REDUCTION == 'sum':
        return loss.sum()
    return loss

if __name__ == "__main__":
    import jax
    _d = setup_inputs()
    print(jax.jit(kernel)(*tuple(_d.values())))

</pallas_src>

<mosaic_0001>
#map = affine_map<(d0, d1) -> (0)>
module attributes {stable_mosaic.version = 14 : i64} {
  func.func @_trim_body(%arg0: i32, %arg1: i32, %arg2: memref<524288xf32, #tpu.memory_space<hbm>>, %arg3: memref<524288xf32, #tpu.memory_space<hbm>>, %arg4: memref<16xf32, #tpu.memory_space<hbm>>, %arg5: memref<32768xf32, #tpu.memory_space<vmem>>, %arg6: memref<32768xf32, #tpu.memory_space<vmem>>, %arg7: memref<1x1024xi32, #tpu.memory_space<vmem>>, %arg8: memref<1x2048xi32, #tpu.memory_space<vmem>>, %arg9: memref<1x2048xf32, #tpu.memory_space<vmem>>, %arg10: memref<1x16xf32, #tpu.memory_space<vmem>>, %arg11: memref<16xf32, #tpu.memory_space<vmem>>, %arg12: memref<1xi32, #tpu.memory_space<vmem>>, %arg13: memref<!tpu.dma_semaphore, #tpu.memory_space<semaphore_mem>>, %arg14: memref<!tpu.dma_semaphore, #tpu.memory_space<semaphore_mem>>, %arg15: memref<1x1024xi32, #tpu.memory_space<vmem_shared>>, %arg16: memref<1x2048xi32, #tpu.memory_space<vmem_shared>>, %arg17: memref<1x2048xf32, #tpu.memory_space<vmem_shared>>, %arg18: memref<1x16xf32, #tpu.memory_space<vmem_shared>>) attributes {dimension_semantics = [#tpu.dimension_semantics<core_parallel>, #tpu.dimension_semantics<subcore_parallel>], iteration_bounds = array<i64: 1, 16>, scalar_prefetch = 0 : i64, scratch_operands = 14 : i64, tpu.core_type = #tpu.core_type<sc_vector_subcore>, window_params = [{transform_indices = #map}, {transform_indices = #map}, {transform_indices = #map}]} {
    %broadcast_in_dim3A = arith.constant 1 : i32
    %broadcast_in_dim3A_0 = vector.broadcast %broadcast_in_dim3A : i32 to vector<16xi32>
    %broadcast_in_dim3A_1 = arith.constant 0 : i32
    %broadcast_in_dim3A_2 = vector.broadcast %broadcast_in_dim3A_1 : i32 to vector<16xi32>
    %broadcast_in_dim3A_3 = arith.constant 0.000000e+00 : f32
    %broadcast_in_dim3A_4 = vector.broadcast %broadcast_in_dim3A_3 : f32 to vector<16xf32>
    %mul3A = arith.constant 32768 : i32
    %mul3A_5 = arith.muli %arg1, %mul3A : i32
    %dma_start3A = tpu.memref_slice %arg2[%mul3A_5] : memref<524288xf32, #tpu.memory_space<hbm>> -> memref<32768xf32, #tpu.memory_space<hbm>>
    %dma_start3A_6 = tpu.memref_slice %arg2[%mul3A_5] : memref<524288xf32, #tpu.memory_space<hbm>> -> memref<32768xf32, #tpu.memory_space<hbm>>
    tpu.enqueue_dma source(%dma_start3A_6 : memref<32768xf32, #tpu.memory_space<hbm>>) target(%arg5 : memref<32768xf32, #tpu.memory_space<vmem>>) target_semaphore(%arg13 : memref<!tpu.dma_semaphore, #tpu.memory_space<semaphore_mem>>)
    %dma_start3A_7 = tpu.memref_slice %arg3[%mul3A_5] : memref<524288xf32, #tpu.memory_space<hbm>> -> memref<32768xf32, #tpu.memory_space<hbm>>
    %dma_start3A_8 = tpu.memref_slice %arg3[%mul3A_5] : memref<524288xf32, #tpu.memory_space<hbm>> -> memref<32768xf32, #tpu.memory_space<hbm>>
    tpu.enqueue_dma source(%dma_start3A_8 : memref<32768xf32, #tpu.memory_space<hbm>>) target(%arg6 : memref<32768xf32, #tpu.memory_space<vmem>>) target_semaphore(%arg14 : memref<!tpu.dma_semaphore, #tpu.memory_space<semaphore_mem>>)
    %scan3A = arith.constant 0 : i32
    %scan3A_9 = arith.constant 0 : i32
    %scan3A_10 = arith.constant 8 : i32
    %scan3A_11 = arith.addi %scan3A_9, %scan3A_10 : i32
    %scan3A_12 = arith.constant 1 : i32
    %scan3A_13 = scf.for %scan3A_115 = %scan3A_9 to %scan3A_11 step %scan3A_12 iter_args(%scan3A_116 = %scan3A) -> (i32)  : i32 {
      %mul3A_117 = arith.constant 8 : i32
      %mul3A_118 = arith.muli %mul3A_117, %scan3A_115 : i32
      %add3A = arith.constant 0 : i32
      %add3A_119 = arith.addi %mul3A_118, %add3A : i32
      %mul3A_120 = arith.constant 16 : i32
      %mul3A_121 = arith.muli %add3A_119, %mul3A_120 : i32
      %swap3A_122 = arith.constant 0 : i32
      %swap3A_123 = arith.index_cast %swap3A_122 : i32 to index
      %swap3A_124 = arith.index_cast %mul3A_121 : i32 to index
      %swap3A_125 = tpu.vector_load %arg7[%swap3A_123, %swap3A_124] {strides = array<i32>} : memref<1x1024xi32, #tpu.memory_space<vmem>>, vector<16xi32>,
      tpu.vector_store %arg7[%swap3A_123, %swap3A_124], %broadcast_in_dim3A_2 {strides = array<i32>} : memref<1x1024xi32, #tpu.memory_space<vmem>>, vector<16xi32>,
      %mul3A_126 = arith.constant 8 : i32
      %mul3A_127 = arith.muli %mul3A_126, %scan3A_115 : i32
      %add3A_128 = arith.constant 1 : i32
      %add3A_129 = arith.addi %mul3A_127, %add3A_128 : i32
      %mul3A_130 = arith.constant 16 : i32
      %mul3A_131 = arith.muli %add3A_129, %mul3A_130 : i32
      %swap3A_132 = arith.constant 0 : i32
      %swap3A_133 = arith.index_cast %swap3A_132 : i32 to index
      %swap3A_134 = arith.index_cast %mul3A_131 : i32 to index
      %swap3A_135 = tpu.vector_load %arg7[%swap3A_133, %swap3A_134] {strides = array<i32>} : memref<1x1024xi32, #tpu.memory_space<vmem>>, vector<16xi32>,
      tpu.vector_store %arg7[%swap3A_133, %swap3A_134], %broadcast_in_dim3A_2 {strides = array<i32>} : memref<1x1024xi32, #tpu.memory_space<vmem>>, vector<16xi32>,
      %mul3A_136 = arith.constant 8 : i32
      %mul3A_137 = arith.muli %mul3A_136, %scan3A_115 : i32
      %add3A_138 = arith.constant 2 : i32
      %add3A_139 = arith.addi %mul3A_137, %add3A_138 : i32
      %mul3A_140 = arith.constant 16 : i32
      %mul3A_141 = arith.muli %add3A_139, %mul3A_140 : i32
      %swap3A_142 = arith.constant 0 : i32
      %swap3A_143 = arith.index_cast %swap3A_142 : i32 to index
      %swap3A_144 = arith.index_cast %mul3A_141 : i32 to index
      %swap3A_145 = tpu.vector_load %arg7[%swap3A_143, %swap3A_144] {strides = array<i32>} : memref<1x1024xi32, #tpu.memory_space<vmem>>, vector<16xi32>,
      tpu.vector_store %arg7[%swap3A_143, %swap3A_144], %broadcast_in_dim3A_2 {strides = array<i32>} : memref<1x1024xi32, #tpu.memory_space<vmem>>, vector<16xi32>,
      %mul3A_146 = arith.constant 8 : i32
      %mul3A_147 = arith.muli %mul3A_146, %scan3A_115 : i32
      %add3A_148 = arith.constant 3 : i32
      %add3A_149 = arith.addi %mul3A_147, %add3A_148 : i32
      %mul3A_150 = arith.constant 16 : i32
      %mul3A_151 = arith.muli %add3A_149, %mul3A_150 : i32
      %swap3A_152 = arith.constant 0 : i32
      %swap3A_153 = arith.index_cast %swap3A_152 : i32 to index
      %swap3A_154 = arith.index_cast %mul3A_151 : i32 to index
      %swap3A_155 = tpu.vector_load %arg7[%swap3A_153, %swap3A_154] {strides = array<i32>} : memref<1x1024xi32, #tpu.memory_space<vmem>>, vector<16xi32>,
      tpu.vector_store %arg7[%swap3A_153, %swap3A_154], %broadcast_in_dim3A_2 {strides = array<i32>} : memref<1x1024xi32, #tpu.memory_space<vmem>>, vector<16xi32>,
      %mul3A_156 = arith.constant 8 : i32
      %mul3A_157 = arith.muli %mul3A_156, %scan3A_115 : i32
      %add3A_158 = arith.constant 4 : i32
      %add3A_159 = arith.addi %mul3A_157, %add3A_158 : i32
      %mul3A_160 = arith.constant 16 : i32
      %mul3A_161 = arith.muli %add3A_159, %mul3A_160 : i32
      %swap3A_162 = arith.constant 0 : i32
      %swap3A_163 = arith.index_cast %swap3A_162 : i32 to index
      %swap3A_164 = arith.index_cast %mul3A_161 : i32 to index
      %swap3A_165 = tpu.vector_load %arg7[%swap3A_163, %swap3A_164] {strides = array<i32>} : memref<1x1024xi32, #tpu.memory_space<vmem>>, vector<16xi32>,
      tpu.vector_store %arg7[%swap3A_163, %swap3A_164], %broadcast_in_dim3A_2 {strides = array<i32>} : memref<1x1024xi32, #tpu.memory_space<vmem>>, vector<16xi32>,
      %mul3A_166 = arith.constant 8 : i32
      %mul3A_167 = arith.muli %mul3A_166, %scan3A_115 : i32
      %add3A_168 = arith.constant 5 : i32
      %add3A_169 = arith.addi %mul3A_167, %add3A_168 : i32
      %mul3A_170 = arith.constant 16 : i32
      %mul3A_171 = arith.muli %add3A_169, %mul3A_170 : i32
      %swap3A_172 = arith.constant 0 : i32
      %swap3A_173 = arith.index_cast %swap3A_172 : i32 to index
      %swap3A_174 = arith.index_cast %mul3A_171 : i32 to index
      %swap3A_175 = tpu.vector_load %arg7[%swap3A_173, %swap3A_174] {strides = array<i32>} : memref<1x1024xi32, #tpu.memory_space<vmem>>, vector<16xi32>,
      tpu.vector_store %arg7[%swap3A_173, %swap3A_174], %broadcast_in_dim3A_2 {strides = array<i32>} : memref<1x1024xi32, #tpu.memory_space<vmem>>, vector<16xi32>,
      %mul3A_176 = arith.constant 8 : i32
      %mul3A_177 = arith.muli %mul3A_176, %scan3A_115 : i32
      %add3A_178 = arith.constant 6 : i32
      %add3A_179 = arith.addi %mul3A_177, %add3A_178 : i32
      %mul3A_180 = arith.constant 16 : i32
      %mul3A_181 = arith.muli %add3A_179, %mul3A_180 : i32
      %swap3A_182 = arith.constant 0 : i32
      %swap3A_183 = arith.index_cast %swap3A_182 : i32 to index
      %swap3A_184 = arith.index_cast %mul3A_181 : i32 to index
      %swap3A_185 = tpu.vector_load %arg7[%swap3A_183, %swap3A_184] {strides = array<i32>} : memref<1x1024xi32, #tpu.memory_space<vmem>>, vector<16xi32>,
      tpu.vector_store %arg7[%swap3A_183, %swap3A_184], %broadcast_in_dim3A_2 {strides = array<i32>} : memref<1x1024xi32, #tpu.memory_space<vmem>>, vector<16xi32>,
      %mul3A_186 = arith.constant 8 : i32
      %mul3A_187 = arith.muli %mul3A_186, %scan3A_115 : i32
      %add3A_188 = arith.constant 7 : i32
      %add3A_189 = arith.addi %mul3A_187, %add3A_188 : i32
      %mul3A_190 = arith.constant 16 : i32
      %mul3A_191 = arith.muli %add3A_189, %mul3A_190 : i32
      %swap3A_192 = arith.constant 0 : i32
      %swap3A_193 = arith.index_cast %swap3A_192 : i32 to index
      %swap3A_194 = arith.index_cast %mul3A_191 : i32 to index
      %swap3A_195 = tpu.vector_load %arg7[%swap3A_193, %swap3A_194] {strides = array<i32>} : memref<1x1024xi32, #tpu.memory_space<vmem>>, vector<16xi32>,
      tpu.vector_store %arg7[%swap3A_193, %swap3A_194], %broadcast_in_dim3A_2 {strides = array<i32>} : memref<1x1024xi32, #tpu.memory_space<vmem>>, vector<16xi32>,
      %scan3A_196 = arith.constant 0 : i32
      scf.yield %scan3A_196 : i32
    }
    %scan3A_14 = arith.constant 8 : i32
    %scan3A_15 = arith.constant 0 : i32
    %scan3A_16 = arith.constant 0 : i32
    %scan3A_17 = arith.constant 16 : i32
    %scan3A_18 = arith.addi %scan3A_16, %scan3A_17 : i32
    %scan3A_19 = arith.constant 1 : i32
    %scan3A_20 = scf.for %scan3A_115 = %scan3A_16 to %scan3A_18 step %scan3A_19 iter_args(%scan3A_116 = %scan3A_15) -> (i32)  : i32 {
      %mul3A_117 = arith.constant 8 : i32
      %mul3A_118 = arith.muli %mul3A_117, %scan3A_115 : i32
      %add3A = arith.constant 0 : i32
      %add3A_119 = arith.addi %mul3A_118, %add3A : i32
      %mul3A_120 = arith.constant 16 : i32
      %mul3A_121 = arith.muli %add3A_119, %mul3A_120 : i32
      %swap3A_122 = arith.constant 0 : i32
      %swap3A_123 = arith.index_cast %swap3A_122 : i32 to index
      %swap3A_124 = arith.index_cast %mul3A_121 : i32 to index
      %swap3A_125 = tpu.vector_load %arg8[%swap3A_123, %swap3A_124] {strides = array<i32>} : memref<1x2048xi32, #tpu.memory_space<vmem>>, vector<16xi32>,
      tpu.vector_store %arg8[%swap3A_123, %swap3A_124], %broadcast_in_dim3A_2 {strides = array<i32>} : memref<1x2048xi32, #tpu.memory_space<vmem>>, vector<16xi32>,
      %mul3A_126 = arith.constant 8 : i32
      %mul3A_127 = arith.muli %mul3A_126, %scan3A_115 : i32
      %add3A_128 = arith.constant 0 : i32
      %add3A_129 = arith.addi %mul3A_127, %add3A_128 : i32
      %mul3A_130 = arith.constant 16 : i32
      %mul3A_131 = arith.muli %add3A_129, %mul3A_130 : i32
      %swap3A_132 = arith.constant 0 : i32
      %swap3A_133 = arith.index_cast %swap3A_132 : i32 to index
      %swap3A_134 = arith.index_cast %mul3A_131 : i32 to index
      %swap3A_135 = tpu.vector_load %arg9[%swap3A_133, %swap3A_134] {strides = array<i32>} : memref<1x2048xf32, #tpu.memory_space<vmem>>, vector<16xf32>,
      tpu.vector_store %arg9[%swap3A_133, %swap3A_134], %broadcast_in_dim3A_4 {strides = array<i32>} : memref<1x2048xf32, #tpu.memory_space<vmem>>, vector<16xf32>,
      %mul3A_136 = arith.constant 8 : i32
      %mul3A_137 = arith.muli %mul3A_136, %scan3A_115 : i32
      %add3A_138 = arith.constant 1 : i32
      %add3A_139 = arith.addi %mul3A_137, %add3A_138 : i32
      %mul3A_140 = arith.constant 16 : i32
      %mul3A_141 = arith.muli %add3A_139, %mul3A_140 : i32
      %swap3A_142 = arith.constant 0 : i32
      %swap3A_143 = arith.index_cast %swap3A_142 : i32 to index
      %swap3A_144 = arith.index_cast %mul3A_141 : i32 to index
      %swap3A_145 = tpu.vector_load %arg8[%swap3A_143, %swap3A_144] {strides = array<i32>} : memref<1x2048xi32, #tpu.memory_space<vmem>>, vector<16xi32>,
      tpu.vector_store %arg8[%swap3A_143, %swap3A_144], %broadcast_in_dim3A_2 {strides = array<i32>} : memref<1x2048xi32, #tpu.memory_space<vmem>>, vector<16xi32>,
      %mul3A_146 = arith.constant 8 : i32
      %mul3A_147 = arith.muli %mul3A_146, %scan3A_115 : i32
      %add3A_148 = arith.constant 1 : i32
      %add3A_149 = arith.addi %mul3A_147, %add3A_148 : i32
      %mul3A_150 = arith.constant 16 : i32
      %mul3A_151 = arith.muli %add3A_149, %mul3A_150 : i32
      %swap3A_152 = arith.constant 0 : i32
      %swap3A_153 = arith.index_cast %swap3A_152 : i32 to index
      %swap3A_154 = arith.index_cast %mul3A_151 : i32 to index
      %swap3A_155 = tpu.vector_load %arg9[%swap3A_153, %swap3A_154] {strides = array<i32>} : memref<1x2048xf32, #tpu.memory_space<vmem>>, vector<16xf32>,
      tpu.vector_store %arg9[%swap3A_153, %swap3A_154], %broadcast_in_dim3A_4 {strides = array<i32>} : memref<1x2048xf32, #tpu.memory_space<vmem>>, vector<16xf32>,
      %mul3A_156 = arith.constant 8 : i32
      %mul3A_157 = arith.muli %mul3A_156, %scan3A_115 : i32
      %add3A_158 = arith.constant 2 : i32
      %add3A_159 = arith.addi %mul3A_157, %add3A_158 : i32
      %mul3A_160 = arith.constant 16 : i32
      %mul3A_161 = arith.muli %add3A_159, %mul3A_160 : i32
      %swap3A_162 = arith.constant 0 : i32
      %swap3A_163 = arith.index_cast %swap3A_162 : i32 to index
      %swap3A_164 = arith.index_cast %mul3A_161 : i32 to index
      %swap3A_165 = tpu.vector_load %arg8[%swap3A_163, %swap3A_164] {strides = array<i32>} : memref<1x2048xi32, #tpu.memory_space<vmem>>, vector<16xi32>,
      tpu.vector_store %arg8[%swap3A_163, %swap3A_164], %broadcast_in_dim3A_2 {strides = array<i32>} : memref<1x2048xi32, #tpu.memory_space<vmem>>, vector<16xi32>,
      %mul3A_166 = arith.constant 8 : i32
      %mul3A_167 = arith.muli %mul3A_166, %scan3A_115 : i32
      %add3A_168 = arith.constant 2 : i32
      %add3A_169 = arith.addi %mul3A_167, %add3A_168 : i32
      %mul3A_170 = arith.constant 16 : i32
      %mul3A_171 = arith.muli %add3A_169, %mul3A_170 : i32
      %swap3A_172 = arith.constant 0 : i32
      %swap3A_173 = arith.index_cast %swap3A_172 : i32 to index
      %swap3A_174 = arith.index_cast %mul3A_171 : i32 to index
      %swap3A_175 = tpu.vector_load %arg9[%swap3A_173, %swap3A_174] {strides = array<i32>} : memref<1x2048xf32, #tpu.memory_space<vmem>>, vector<16xf32>,
      tpu.vector_store %arg9[%swap3A_173, %swap3A_174], %broadcast_in_dim3A_4 {strides = array<i32>} : memref<1x2048xf32, #tpu.memory_space<vmem>>, vector<16xf32>,
      %mul3A_176 = arith.constant 8 : i32
      %mul3A_177 = arith.muli %mul3A_176, %scan3A_115 : i32
      %add3A_178 = arith.constant 3 : i32
      %add3A_179 = arith.addi %mul3A_177, %add3A_178 : i32
      %mul3A_180 = arith.constant 16 : i32
      %mul3A_181 = arith.muli %add3A_179, %mul3A_180 : i32
      %swap3A_182 = arith.constant 0 : i32
      %swap3A_183 = arith.index_cast %swap3A_182 : i32 to index
      %swap3A_184 = arith.index_cast %mul3A_181 : i32 to index
      %swap3A_185 = tpu.vector_load %arg8[%swap3A_183, %swap3A_184] {strides = array<i32>} : memref<1x2048xi32, #tpu.memory_space<vmem>>, vector<16xi32>,
      tpu.vector_store %arg8[%swap3A_183, %swap3A_184], %broadcast_in_dim3A_2 {strides = array<i32>} : memref<1x2048xi32, #tpu.memory_space<vmem>>, vector<16xi32>,
      %mul3A_186 = arith.constant 8 : i32
      %mul3A_187 = arith.muli %mul3A_186, %scan3A_115 : i32
      %add3A_188 = arith.constant 3 : i32
      %add3A_189 = arith.addi %mul3A_187, %add3A_188 : i32
      %mul3A_190 = arith.constant 16 : i32
      %mul3A_191 = arith.muli %add3A_189, %mul3A_190 : i32
      %swap3A_192 = arith.constant 0 : i32
      %swap3A_193 = arith.index_cast %swap3A_192 : i32 to index
      %swap3A_194 = arith.index_cast %mul3A_191 : i32 to index
      %swap3A_195 = tpu.vector_load %arg9[%swap3A_193, %swap3A_194] {strides = array<i32>} : memref<1x2048xf32, #tpu.memory_space<vmem>>, vector<16xf32>,
      tpu.vector_store %arg9[%swap3A_193, %swap3A_194], %broadcast_in_dim3A_4 {strides = array<i32>} : memref<1x2048xf32, #tpu.memory_space<vmem>>, vector<16xf32>,
      %mul3A_196 = arith.constant 8 : i32
      %mul3A_197 = arith.muli %mul3A_196, %scan3A_115 : i32
      %add3A_198 = arith.constant 4 : i32
      %add3A_199 = arith.addi %mul3A_197, %add3A_198 : i32
      %mul3A_200 = arith.constant 16 : i32
      %mul3A_201 = arith.muli %add3A_199, %mul3A_200 : i32
      %swap3A_202 = arith.constant 0 : i32
      %swap3A_203 = arith.index_cast %swap3A_202 : i32 to index
      %swap3A_204 = arith.index_cast %mul3A_201 : i32 to index
      %swap3A_205 = tpu.vector_load %arg8[%swap3A_203, %swap3A_204] {strides = array<i32>} : memref<1x2048xi32, #tpu.memory_space<vmem>>, vector<16xi32>,
      tpu.vector_store %arg8[%swap3A_203, %swap3A_204], %broadcast_in_dim3A_2 {strides = array<i32>} : memref<1x2048xi32, #tpu.memory_space<vmem>>, vector<16xi32>,
      %mul3A_206 = arith.constant 8 : i32
      %mul3A_207 = arith.muli %mul3A_206, %scan3A_115 : i32
      %add3A_208 = arith.constant 4 : i32
      %add3A_209 = arith.addi %mul3A_207, %add3A_208 : i32
      %mul3A_210 = arith.constant 16 : i32
      %mul3A_211 = arith.muli %add3A_209, %mul3A_210 : i32
      %swap3A_212 = arith.constant 0 : i32
      %swap3A_213 = arith.index_cast %swap3A_212 : i32 to index
      %swap3A_214 = arith.index_cast %mul3A_211 : i32 to index
      %swap3A_215 = tpu.vector_load %arg9[%swap3A_213, %swap3A_214] {strides = array<i32>} : memref<1x2048xf32, #tpu.memory_space<vmem>>, vector<16xf32>,
      tpu.vector_store %arg9[%swap3A_213, %swap3A_214], %broadcast_in_dim3A_4 {strides = array<i32>} : memref<1x2048xf32, #tpu.memory_space<vmem>>, vector<16xf32>,
      %mul3A_216 = arith.constant 8 : i32
      %mul3A_217 = arith.muli %mul3A_216, %scan3A_115 : i32
      %add3A_218 = arith.constant 5 : i32
      %add3A_219 = arith.addi %mul3A_217, %add3A_218 : i32
      %mul3A_220 = arith.constant 16 : i32
      %mul3A_221 = arith.muli %add3A_219, %mul3A_220 : i32
      %swap3A_222 = arith.constant 0 : i32
      %swap3A_223 = arith.index_cast %swap3A_222 : i32 to index
      %swap3A_224 = arith.index_cast %mul3A_221 : i32 to index
      %swap3A_225 = tpu.vector_load %arg8[%swap3A_223, %swap3A_224] {strides = array<i32>} : memref<1x2048xi32, #tpu.memory_space<vmem>>, vector<16xi32>,
      tpu.vector_store %arg8[%swap3A_223, %swap3A_224], %broadcast_in_dim3A_2 {strides = array<i32>} : memref<1x2048xi32, #tpu.memory_space<vmem>>, vector<16xi32>,
      %mul3A_226 = arith.constant 8 : i32
      %mul3A_227 = arith.muli %mul3A_226, %scan3A_115 : i32
      %add3A_228 = arith.constant 5 : i32
      %add3A_229 = arith.addi %mul3A_227, %add3A_228 : i32
      %mul3A_230 = arith.constant 16 : i32
      %mul3A_231 = arith.muli %add3A_229, %mul3A_230 : i32
      %swap3A_232 = arith.constant 0 : i32
      %swap3A_233 = arith.index_cast %swap3A_232 : i32 to index
      %swap3A_234 = arith.index_cast %mul3A_231 : i32 to index
      %swap3A_235 = tpu.vector_load %arg9[%swap3A_233, %swap3A_234] {strides = array<i32>} : memref<1x2048xf32, #tpu.memory_space<vmem>>, vector<16xf32>,
      tpu.vector_store %arg9[%swap3A_233, %swap3A_234], %broadcast_in_dim3A_4 {strides = array<i32>} : memref<1x2048xf32, #tpu.memory_space<vmem>>, vector<16xf32>,
      %mul3A_236 = arith.constant 8 : i32
      %mul3A_237 = arith.muli %mul3A_236, %scan3A_115 : i32
      %add3A_238 = arith.constant 6 : i32
      %add3A_239 = arith.addi %mul3A_237, %add3A_238 : i32
      %mul3A_240 = arith.constant 16 : i32
      %mul3A_241 = arith.muli %add3A_239, %mul3A_240 : i32
      %swap3A_242 = arith.constant 0 : i32
      %swap3A_243 = arith.index_cast %swap3A_242 : i32 to index
      %swap3A_244 = arith.index_cast %mul3A_241 : i32 to index
      %swap3A_245 = tpu.vector_load %arg8[%swap3A_243, %swap3A_244] {strides = array<i32>} : memref<1x2048xi32, #tpu.memory_space<vmem>>, vector<16xi32>,
      tpu.vector_store %arg8[%swap3A_243, %swap3A_244], %broadcast_in_dim3A_2 {strides = array<i32>} : memref<1x2048xi32, #tpu.memory_space<vmem>>, vector<16xi32>,
      %mul3A_246 = arith.constant 8 : i32
      %mul3A_247 = arith.muli %mul3A_246, %scan3A_115 : i32
      %add3A_248 = arith.constant 6 : i32
      %add3A_249 = arith.addi %mul3A_247, %add3A_248 : i32
      %mul3A_250 = arith.constant 16 : i32
      %mul3A_251 = arith.muli %add3A_249, %mul3A_250 : i32
      %swap3A_252 = arith.constant 0 : i32
      %swap3A_253 = arith.index_cast %swap3A_252 : i32 to index
      %swap3A_254 = arith.index_cast %mul3A_251 : i32 to index
      %swap3A_255 = tpu.vector_load %arg9[%swap3A_253, %swap3A_254] {strides = array<i32>} : memref<1x2048xf32, #tpu.memory_space<vmem>>, vector<16xf32>,
      tpu.vector_store %arg9[%swap3A_253, %swap3A_254], %broadcast_in_dim3A_4 {strides = array<i32>} : memref<1x2048xf32, #tpu.memory_space<vmem>>, vector<16xf32>,
      %mul3A_256 = arith.constant 8 : i32
      %mul3A_257 = arith.muli %mul3A_256, %scan3A_115 : i32
      %add3A_258 = arith.constant 7 : i32
      %add3A_259 = arith.addi %mul3A_257, %add3A_258 : i32
      %mul3A_260 = arith.constant 16 : i32
      %mul3A_261 = arith.muli %add3A_259, %mul3A_260 : i32
      %swap3A_262 = arith.constant 0 : i32
      %swap3A_263 = arith.index_cast %swap3A_262 : i32 to index
      %swap3A_264 = arith.index_cast %mul3A_261 : i32 to index
      %swap3A_265 = tpu.vector_load %arg8[%swap3A_263, %swap3A_264] {strides = array<i32>} : memref<1x2048xi32, #tpu.memory_space<vmem>>, vector<16xi32>,
      tpu.vector_store %arg8[%swap3A_263, %swap3A_264], %broadcast_in_dim3A_2 {strides = array<i32>} : memref<1x2048xi32, #tpu.memory_space<vmem>>, vector<16xi32>,
      %mul3A_266 = arith.constant 8 : i32
      %mul3A_267 = arith.muli %mul3A_266, %scan3A_115 : i32
      %add3A_268 = arith.constant 7 : i32
      %add3A_269 = arith.addi %mul3A_267, %add3A_268 : i32
      %mul3A_270 = arith.constant 16 : i32
      %mul3A_271 = arith.muli %add3A_269, %mul3A_270 : i32
      %swap3A_272 = arith.constant 0 : i32
      %swap3A_273 = arith.index_cast %swap3A_272 : i32 to index
      %swap3A_274 = arith.index_cast %mul3A_271 : i32 to index
      %swap3A_275 = tpu.vector_load %arg9[%swap3A_273, %swap3A_274] {strides = array<i32>} : memref<1x2048xf32, #tpu.memory_space<vmem>>, vector<16xf32>,
      tpu.vector_store %arg9[%swap3A_273, %swap3A_274], %broadcast_in_dim3A_4 {strides = array<i32>} : memref<1x2048xf32, #tpu.memory_space<vmem>>, vector<16xf32>,
      %scan3A_276 = arith.constant 0 : i32
      scf.yield %scan3A_276 : i32
    }
    %scan3A_21 = arith.constant 16 : i32
    %swap3A = arith.constant 0 : i32
    %swap3A_22 = arith.index_cast %swap3A : i32 to index
    %swap3A_23 = arith.constant 0 : index
    %swap3A_24 = tpu.vector_load %arg10[%swap3A_22, %swap3A_23] {strides = array<i32>} : memref<1x16xf32, #tpu.memory_space<vmem>>, vector<16xf32>,
    tpu.vector_store %arg10[%swap3A_22, %swap3A_23], %broadcast_in_dim3A_4 {strides = array<i32>} : memref<1x16xf32, #tpu.memory_space<vmem>>, vector<16xf32>,
    %eq3A = arith.constant 0 : i32
    %eq3A_25 = arith.cmpi eq, %arg1, %eq3A : i32
    %convert_element_type3A = arith.extui %eq3A_25 : i1 to i32
    %cond3A = arith.constant 0 : i32
    %cond3A_26 = arith.cmpi ne, %convert_element_type3A, %cond3A : i32
    scf.if %cond3A_26 {
      "tpu.region"() ({
        %run_scoped3A_115 = tpu.sem_alloc : memref<!tpu.dma_semaphore, #tpu.memory_space<semaphore_mem>>
        tpu.enqueue_dma source(%arg7 : memref<1x1024xi32, #tpu.memory_space<vmem>>) target(%arg15 : memref<1x1024xi32, #tpu.memory_space<vmem_shared>>) target_semaphore(%run_scoped3A_115 : memref<!tpu.dma_semaphore, #tpu.memory_space<semaphore_mem>>)
        tpu.wait_dma2 semaphore(%run_scoped3A_115 : memref<!tpu.dma_semaphore, #tpu.memory_space<semaphore_mem>>) src(%arg7 : memref<1x1024xi32, #tpu.memory_space<vmem>>) dst(%arg15 : memref<1x1024xi32, #tpu.memory_space<vmem_shared>>)
        tpu.yield
      }) : () -> ()
      "tpu.region"() ({
        %run_scoped3A_115 = tpu.sem_alloc : memref<!tpu.dma_semaphore, #tpu.memory_space<semaphore_mem>>
        tpu.enqueue_dma source(%arg8 : memref<1x2048xi32, #tpu.memory_space<vmem>>) target(%arg16 : memref<1x2048xi32, #tpu.memory_space<vmem_shared>>) target_semaphore(%run_scoped3A_115 : memref<!tpu.dma_semaphore, #tpu.memory_space<semaphore_mem>>)
        tpu.wait_dma2 semaphore(%run_scoped3A_115 : memref<!tpu.dma_semaphore, #tpu.memory_space<semaphore_mem>>) src(%arg8 : memref<1x2048xi32, #tpu.memory_space<vmem>>) dst(%arg16 : memref<1x2048xi32, #tpu.memory_space<vmem_shared>>)
        tpu.yield
      }) : () -> ()
      "tpu.region"() ({
        %run_scoped3A_115 = tpu.sem_alloc : memref<!tpu.dma_semaphore, #tpu.memory_space<semaphore_mem>>
        tpu.enqueue_dma source(%arg9 : memref<1x2048xf32, #tpu.memory_space<vmem>>) target(%arg17 : memref<1x2048xf32, #tpu.memory_space<vmem_shared>>) target_semaphore(%run_scoped3A_115 : memref<!tpu.dma_semaphore, #tpu.memory_space<semaphore_mem>>)
        tpu.wait_dma2 semaphore(%run_scoped3A_115 : memref<!tpu.dma_semaphore, #tpu.memory_space<semaphore_mem>>) src(%arg9 : memref<1x2048xf32, #tpu.memory_space<vmem>>) dst(%arg17 : memref<1x2048xf32, #tpu.memory_space<vmem_shared>>)
        tpu.yield
      }) : () -> ()
      "tpu.region"() ({
        %run_scoped3A_115 = tpu.sem_alloc : memref<!tpu.dma_semaphore, #tpu.memory_space<semaphore_mem>>
        tpu.enqueue_dma source(%arg10 : memref<1x16xf32, #tpu.memory_space<vmem>>) target(%arg18 : memref<1x16xf32, #tpu.memory_space<vmem_shared>>) target_semaphore(%run_scoped3A_115 : memref<!tpu.dma_semaphore, #tpu.memory_space<semaphore_mem>>)
        tpu.wait_dma2 semaphore(%run_scoped3A_115 : memref<!tpu.dma_semaphore, #tpu.memory_space<semaphore_mem>>) src(%arg10 : memref<1x16xf32, #tpu.memory_space<vmem>>) dst(%arg18 : memref<1x16xf32, #tpu.memory_space<vmem_shared>>)
        tpu.yield
      }) : () -> ()
    } else {
    }
    %barrier3A = arith.constant 0 : index
    tpu.barrier barrier_id(%barrier3A)
    %run_scoped3A = arith.constant 0 : i32
    "tpu.region"() ({
      %run_scoped3A_115 = tpu.sem_alloc : memref<!tpu.dma_semaphore, #tpu.memory_space<semaphore_mem>>
      %dma_start3A_116 = arith.constant 0 : i32
      %dma_start3A_117 = tpu.memref_slice %arg15[%run_scoped3A, %dma_start3A_116] : memref<1x1024xi32, #tpu.memory_space<vmem_shared>> -> memref<1x1xi32, #tpu.memory_space<vmem_shared>>
      %dma_start3A_118 = tpu.memref_squeeze %dma_start3A_117 : memref<1x1xi32, #tpu.memory_space<vmem_shared>> -> memref<1xi32, #tpu.memory_space<vmem_shared>>
      %dma_start3A_119 = arith.constant 0 : i32
      %dma_start3A_120 = tpu.memref_slice %arg15[%run_scoped3A, %dma_start3A_119] : memref<1x1024xi32, #tpu.memory_space<vmem_shared>> -> memref<1x1xi32, #tpu.memory_space<vmem_shared>>
      %dma_start3A_121 = tpu.memref_squeeze %dma_start3A_120 : memref<1x1xi32, #tpu.memory_space<vmem_shared>> -> memref<1xi32, #tpu.memory_space<vmem_shared>>
      tpu.enqueue_dma source(%dma_start3A_121 : memref<1xi32, #tpu.memory_space<vmem_shared>>) target(%arg12 : memref<1xi32, #tpu.memory_space<vmem>>) target_semaphore(%run_scoped3A_115 : memref<!tpu.dma_semaphore, #tpu.memory_space<semaphore_mem>>)
      %dma_wait3A_122 = arith.constant 0 : i32
      %dma_wait3A_123 = tpu.memref_slice %arg15[%run_scoped3A, %dma_wait3A_122] : memref<1x1024xi32, #tpu.memory_space<vmem_shared>> -> memref<1x1xi32, #tpu.memory_space<vmem_shared>>
      %dma_wait3A_124 = tpu.memref_squeeze %dma_wait3A_123 : memref<1x1xi32, #tpu.memory_space<vmem_shared>> -> memref<1xi32, #tpu.memory_space<vmem_shared>>
      %dma_wait3A_125 = arith.constant 0 : i32
      %dma_wait3A_126 = tpu.memref_slice %arg15[%run_scoped3A, %dma_wait3A_125] : memref<1x1024xi32, #tpu.memory_space<vmem_shared>> -> memref<1x1xi32, #tpu.memory_space<vmem_shared>>
      %dma_wait3A_127 = tpu.memref_squeeze %dma_wait3A_126 : memref<1x1xi32, #tpu.memory_space<vmem_shared>> -> memref<1xi32, #tpu.memory_space<vmem_shared>>
      tpu.wait_dma2 semaphore(%run_scoped3A_115 : memref<!tpu.dma_semaphore, #tpu.memory_space<semaphore_mem>>) src(%dma_wait3A_127 : memref<1xi32, #tpu.memory_space<vmem_shared>>) dst(%arg12 : memref<1xi32, #tpu.memory_space<vmem>>)
      tpu.yield
    }) : () -> ()
    %dma_wait3A = tpu.memref_slice %arg2[%mul3A_5] : memref<524288xf32, #tpu.memory_space<hbm>> -> memref<32768xf32, #tpu.memory_space<hbm>>
    %dma_wait3A_27 = tpu.memref_slice %arg2[%mul3A_5] : memref<524288xf32, #tpu.memory_space<hbm>> -> memref<32768xf32, #tpu.memory_space<hbm>>
    tpu.wait_dma2 semaphore(%arg13 : memref<!tpu.dma_semaphore, #tpu.memory_space<semaphore_mem>>) src(%dma_wait3A_27 : memref<32768xf32, #tpu.memory_space<hbm>>) dst(%arg5 : memref<32768xf32, #tpu.memory_space<vmem>>)
    %dma_wait3A_28 = tpu.memref_slice %arg3[%mul3A_5] : memref<524288xf32, #tpu.memory_space<hbm>> -> memref<32768xf32, #tpu.memory_space<hbm>>
    %dma_wait3A_29 = tpu.memref_slice %arg3[%mul3A_5] : memref<524288xf32, #tpu.memory_space<hbm>> -> memref<32768xf32, #tpu.memory_space<hbm>>
    tpu.wait_dma2 semaphore(%arg14 : memref<!tpu.dma_semaphore, #tpu.memory_space<semaphore_mem>>) src(%dma_wait3A_29 : memref<32768xf32, #tpu.memory_space<hbm>>) dst(%arg6 : memref<32768xf32, #tpu.memory_space<vmem>>)
    %scan3A_30 = arith.constant 0 : i32
    %scan3A_31 = arith.constant 0 : i32
    %scan3A_32 = arith.constant 256 : i32
    %scan3A_33 = arith.addi %scan3A_31, %scan3A_32 : i32
    %scan3A_34 = arith.constant 1 : i32
    %scan3A_35 = scf.for %scan3A_115 = %scan3A_31 to %scan3A_33 step %scan3A_34 iter_args(%scan3A_116 = %scan3A_30) -> (i32)  : i32 {
      %mul3A_117 = arith.constant 8 : i32
      %mul3A_118 = arith.muli %mul3A_117, %scan3A_115 : i32
      %add3A = arith.constant 0 : i32
      %add3A_119 = arith.addi %mul3A_118, %add3A : i32
      %mul3A_120 = arith.constant 16 : i32
      %mul3A_121 = arith.muli %add3A_119, %mul3A_120 : i32
      %get3A = arith.index_cast %mul3A_121 : i32 to index
      %get3A_122 = tpu.vector_load %arg5[%get3A] {strides = array<i32>} : memref<32768xf32, #tpu.memory_space<vmem>>, vector<16xf32>,
      %get3A_123 = arith.index_cast %mul3A_121 : i32 to index
      %get3A_124 = tpu.vector_load %arg6[%get3A_123] {strides = array<i32>} : memref<32768xf32, #tpu.memory_space<vmem>>, vector<16xf32>,
      %sub3A_125 = arith.subf %get3A_122, %get3A_124 : vector<16xf32>
      %abs3A = math.absf %sub3A_125 : vector<16xf32>
      %swap3A_126 = arith.index_cast %mul3A_121 : i32 to index
      %swap3A_127 = tpu.vector_load %arg5[%swap3A_126] {strides = array<i32>} : memref<32768xf32, #tpu.memory_space<vmem>>, vector<16xf32>,
      tpu.vector_store %arg5[%swap3A_126], %abs3A {strides = array<i32>} : memref<32768xf32, #tpu.memory_space<vmem>>, vector<16xf32>,
      %bitcast_convert_type3A = tpu.bitcast %abs3A : vector<16xf32> -> vector<16xi32>
      %shift_right_arithmetic3A = arith.constant 21 : i32
      %shift_right_arithmetic3A_128 = vector.broadcast %shift_right_arithmetic3A : i32 to vector<16xi32>
      %shift_right_arithmetic3A_129 = arith.shrsi %bitcast_convert_type3A, %shift_right_arithmetic3A_128 : vector<16xi32>
      %scatter3A = arith.constant 0 : i32
      %scatter3A_130 = arith.constant 0 : i32
      %scatter3A_131 = tpu.memref_slice %arg7[%scatter3A, %scatter3A_130] : memref<1x1024xi32, #tpu.memory_space<vmem>> -> memref<1x1024xi32, #tpu.memory_space<vmem>>
      %scatter3A_132 = tpu.memref_squeeze %scatter3A_131 : memref<1x1024xi32, #tpu.memory_space<vmem>> -> memref<1024xi32, #tpu.memory_space<vmem>>
      tpu.vector_store_idx %scatter3A_132[%shift_right_arithmetic3A_129], %broadcast_in_dim3A_0 {add = true} : memref<1024xi32, #tpu.memory_space<vmem>>[vector<16xi32>], vector<16xi32>,
      %mul3A_133 = arith.constant 8 : i32
      %mul3A_134 = arith.muli %mul3A_133, %scan3A_115 : i32
      %add3A_135 = arith.constant 1 : i32
      %add3A_136 = arith.addi %mul3A_134, %add3A_135 : i32
      %mul3A_137 = arith.constant 16 : i32
      %mul3A_138 = arith.muli %add3A_136, %mul3A_137 : i32
      %get3A_139 = arith.index_cast %mul3A_138 : i32 to index
      %get3A_140 = tpu.vector_load %arg5[%get3A_139] {strides = array<i32>} : memref<32768xf32, #tpu.memory_space<vmem>>, vector<16xf32>,
      %get3A_141 = arith.index_cast %mul3A_138 : i32 to index
      %get3A_142 = tpu.vector_load %arg6[%get3A_141] {strides = array<i32>} : memref<32768xf32, #tpu.memory_space<vmem>>, vector<16xf32>,
      %sub3A_143 = arith.subf %get3A_140, %get3A_142 : vector<16xf32>
      %abs3A_144 = math.absf %sub3A_143 : vector<16xf32>
      %swap3A_145 = arith.index_cast %mul3A_138 : i32 to index
      %swap3A_146 = tpu.vector_load %arg5[%swap3A_145] {strides = array<i32>} : memref<32768xf32, #tpu.memory_space<vmem>>, vector<16xf32>,
      tpu.vector_store %arg5[%swap3A_145], %abs3A_144 {strides = array<i32>} : memref<32768xf32, #tpu.memory_space<vmem>>, vector<16xf32>,
      %bitcast_convert_type3A_147 = tpu.bitcast %abs3A_144 : vector<16xf32> -> vector<16xi32>
      %shift_right_arithmetic3A_148 = arith.constant 21 : i32
      %shift_right_arithmetic3A_149 = vector.broadcast %shift_right_arithmetic3A_148 : i32 to vector<16xi32>
      %shift_right_arithmetic3A_150 = arith.shrsi %bitcast_convert_type3A_147, %shift_right_arithmetic3A_149 : vector<16xi32>
      %scatter3A_151 = arith.constant 0 : i32
      %scatter3A_152 = arith.constant 0 : i32
      %scatter3A_153 = tpu.memref_slice %arg7[%scatter3A_151, %scatter3A_152] : memref<1x1024xi32, #tpu.memory_space<vmem>> -> memref<1x1024xi32, #tpu.memory_space<vmem>>
      %scatter3A_154 = tpu.memref_squeeze %scatter3A_153 : memref<1x1024xi32, #tpu.memory_space<vmem>> -> memref<1024xi32, #tpu.memory_space<vmem>>
      tpu.vector_store_idx %scatter3A_154[%shift_right_arithmetic3A_150], %broadcast_in_dim3A_0 {add = true} : memref<1024xi32, #tpu.memory_space<vmem>>[vector<16xi32>], vector<16xi32>,
      %mul3A_155 = arith.constant 8 : i32
      %mul3A_156 = arith.muli %mul3A_155, %scan3A_115 : i32
      %add3A_157 = arith.constant 2 : i32
      %add3A_158 = arith.addi %mul3A_156, %add3A_157 : i32
      %mul3A_159 = arith.constant 16 : i32
      %mul3A_160 = arith.muli %add3A_158, %mul3A_159 : i32
      %get3A_161 = arith.index_cast %mul3A_160 : i32 to index
      %get3A_162 = tpu.vector_load %arg5[%get3A_161] {strides = array<i32>} : memref<32768xf32, #tpu.memory_space<vmem>>, vector<16xf32>,
      %get3A_163 = arith.index_cast %mul3A_160 : i32 to index
      %get3A_164 = tpu.vector_load %arg6[%get3A_163] {strides = array<i32>} : memref<32768xf32, #tpu.memory_space<vmem>>, vector<16xf32>,
      %sub3A_165 = arith.subf %get3A_162, %get3A_164 : vector<16xf32>
      %abs3A_166 = math.absf %sub3A_165 : vector<16xf32>
      %swap3A_167 = arith.index_cast %mul3A_160 : i32 to index
      %swap3A_168 = tpu.vector_load %arg5[%swap3A_167] {strides = array<i32>} : memref<32768xf32, #tpu.memory_space<vmem>>, vector<16xf32>,
      tpu.vector_store %arg5[%swap3A_167], %abs3A_166 {strides = array<i32>} : memref<32768xf32, #tpu.memory_space<vmem>>, vector<16xf32>,
      %bitcast_convert_type3A_169 = tpu.bitcast %abs3A_166 : vector<16xf32> -> vector<16xi32>
      %shift_right_arithmetic3A_170 = arith.constant 21 : i32
      %shift_right_arithmetic3A_171 = vector.broadcast %shift_right_arithmetic3A_170 : i32 to vector<16xi32>
      %shift_right_arithmetic3A_172 = arith.shrsi %bitcast_convert_type3A_169, %shift_right_arithmetic3A_171 : vector<16xi32>
      %scatter3A_173 = arith.constant 0 : i32
      %scatter3A_174 = arith.constant 0 : i32
      %scatter3A_175 = tpu.memref_slice %arg7[%scatter3A_173, %scatter3A_174] : memref<1x1024xi32, #tpu.memory_space<vmem>> -> memref<1x1024xi32, #tpu.memory_space<vmem>>
      %scatter3A_176 = tpu.memref_squeeze %scatter3A_175 : memref<1x1024xi32, #tpu.memory_space<vmem>> -> memref<1024xi32, #tpu.memory_space<vmem>>
      tpu.vector_store_idx %scatter3A_176[%shift_right_arithmetic3A_172], %broadcast_in_dim3A_0 {add = true} : memref<1024xi32, #tpu.memory_space<vmem>>[vector<16xi32>], vector<16xi32>,
      %mul3A_177 = arith.constant 8 : i32
      %mul3A_178 = arith.muli %mul3A_177, %scan3A_115 : i32
      %add3A_179 = arith.constant 3 : i32
      %add3A_180 = arith.addi %mul3A_178, %add3A_179 : i32
      %mul3A_181 = arith.constant 16 : i32
      %mul3A_182 = arith.muli %add3A_180, %mul3A_181 : i32
      %get3A_183 = arith.index_cast %mul3A_182 : i32 to index
      %get3A_184 = tpu.vector_load %arg5[%get3A_183] {strides = array<i32>} : memref<32768xf32, #tpu.memory_space<vmem>>, vector<16xf32>,
      %get3A_185 = arith.index_cast %mul3A_182 : i32 to index
      %get3A_186 = tpu.vector_load %arg6[%get3A_185] {strides = array<i32>} : memref<32768xf32, #tpu.memory_space<vmem>>, vector<16xf32>,
      %sub3A_187 = arith.subf %get3A_184, %get3A_186 : vector<16xf32>
      %abs3A_188 = math.absf %sub3A_187 : vector<16xf32>
      %swap3A_189 = arith.index_cast %mul3A_182 : i32 to index
      %swap3A_190 = tpu.vector_load %arg5[%swap3A_189] {strides = array<i32>} : memref<32768xf32, #tpu.memory_space<vmem>>, vector<16xf32>,
      tpu.vector_store %arg5[%swap3A_189], %abs3A_188 {strides = array<i32>} : memref<32768xf32, #tpu.memory_space<vmem>>, vector<16xf32>,
      %bitcast_convert_type3A_191 = tpu.bitcast %abs3A_188 : vector<16xf32> -> vector<16xi32>
      %shift_right_arithmetic3A_192 = arith.constant 21 : i32
      %shift_right_arithmetic3A_193 = vector.broadcast %shift_right_arithmetic3A_192 : i32 to vector<16xi32>
      %shift_right_arithmetic3A_194 = arith.shrsi %bitcast_convert_type3A_191, %shift_right_arithmetic3A_193 : vector<16xi32>
      %scatter3A_195 = arith.constant 0 : i32
      %scatter3A_196 = arith.constant 0 : i32
      %scatter3A_197 = tpu.memref_slice %arg7[%scatter3A_195, %scatter3A_196] : memref<1x1024xi32, #tpu.memory_space<vmem>> -> memref<1x1024xi32, #tpu.memory_space<vmem>>
      %scatter3A_198 = tpu.memref_squeeze %scatter3A_197 : memref<1x1024xi32, #tpu.memory_space<vmem>> -> memref<1024xi32, #tpu.memory_space<vmem>>
      tpu.vector_store_idx %scatter3A_198[%shift_right_arithmetic3A_194], %broadcast_in_dim3A_0 {add = true} : memref<1024xi32, #tpu.memory_space<vmem>>[vector<16xi32>], vector<16xi32>,
      %mul3A_199 = arith.constant 8 : i32
      %mul3A_200 = arith.muli %mul3A_199, %scan3A_115 : i32
      %add3A_201 = arith.constant 4 : i32
      %add3A_202 = arith.addi %mul3A_200, %add3A_201 : i32
      %mul3A_203 = arith.constant 16 : i32
      %mul3A_204 = arith.muli %add3A_202, %mul3A_203 : i32
      %get3A_205 = arith.index_cast %mul3A_204 : i32 to index
      %get3A_206 = tpu.vector_load %arg5[%get3A_205] {strides = array<i32>} : memref<32768xf32, #tpu.memory_space<vmem>>, vector<16xf32>,
      %get3A_207 = arith.index_cast %mul3A_204 : i32 to index
      %get3A_208 = tpu.vector_load %arg6[%get3A_207] {strides = array<i32>} : memref<32768xf32, #tpu.memory_space<vmem>>, vector<16xf32>,
      %sub3A_209 = arith.subf %get3A_206, %get3A_208 : vector<16xf32>
      %abs3A_210 = math.absf %sub3A_209 : vector<16xf32>
      %swap3A_211 = arith.index_cast %mul3A_204 : i32 to index
      %swap3A_212 = tpu.vector_load %arg5[%swap3A_211] {strides = array<i32>} : memref<32768xf32, #tpu.memory_space<vmem>>, vector<16xf32>,
      tpu.vector_store %arg5[%swap3A_211], %abs3A_210 {strides = array<i32>} : memref<32768xf32, #tpu.memory_space<vmem>>, vector<16xf32>,
      %bitcast_convert_type3A_213 = tpu.bitcast %abs3A_210 : vector<16xf32> -> vector<16xi32>
      %shift_right_arithmetic3A_214 = arith.constant 21 : i32
      %shift_right_arithmetic3A_215 = vector.broadcast %shift_right_arithmetic3A_214 : i32 to vector<16xi32>
      %shift_right_arithmetic3A_216 = arith.shrsi %bitcast_convert_type3A_213, %shift_right_arithmetic3A_215 : vector<16xi32>
      %scatter3A_217 = arith.constant 0 : i32
      %scatter3A_218 = arith.constant 0 : i32
      %scatter3A_219 = tpu.memref_slice %arg7[%scatter3A_217, %scatter3A_218] : memref<1x1024xi32, #tpu.memory_space<vmem>> -> memref<1x1024xi32, #tpu.memory_space<vmem>>
      %scatter3A_220 = tpu.memref_squeeze %scatter3A_219 : memref<1x1024xi32, #tpu.memory_space<vmem>> -> memref<1024xi32, #tpu.memory_space<vmem>>
      tpu.vector_store_idx %scatter3A_220[%shift_right_arithmetic3A_216], %broadcast_in_dim3A_0 {add = true} : memref<1024xi32, #tpu.memory_space<vmem>>[vector<16xi32>], vector<16xi32>,
      %mul3A_221 = arith.constant 8 : i32
      %mul3A_222 = arith.muli %mul3A_221, %scan3A_115 : i32
      %add3A_223 = arith.constant 5 : i32
      %add3A_224 = arith.addi %mul3A_222, %add3A_223 : i32
      %mul3A_225 = arith.constant 16 : i32
      %mul3A_226 = arith.muli %add3A_224, %mul3A_225 : i32
      %get3A_227 = arith.index_cast %mul3A_226 : i32 to index
      %get3A_228 = tpu.vector_load %arg5[%get3A_227] {strides = array<i32>} : memref<32768xf32, #tpu.memory_space<vmem>>, vector<16xf32>,
      %get3A_229 = arith.index_cast %mul3A_226 : i32 to index
      %get3A_230 = tpu.vector_load %arg6[%get3A_229] {strides = array<i32>} : memref<32768xf32, #tpu.memory_space<vmem>>, vector<16xf32>,
      %sub3A_231 = arith.subf %get3A_228, %get3A_230 : vector<16xf32>
      %abs3A_232 = math.absf %sub3A_231 : vector<16xf32>
      %swap3A_233 = arith.index_cast %mul3A_226 : i32 to index
      %swap3A_234 = tpu.vector_load %arg5[%swap3A_233] {strides = array<i32>} : memref<32768xf32, #tpu.memory_space<vmem>>, vector<16xf32>,
      tpu.vector_store %arg5[%swap3A_233], %abs3A_232 {strides = array<i32>} : memref<32768xf32, #tpu.memory_space<vmem>>, vector<16xf32>,
      %bitcast_convert_type3A_235 = tpu.bitcast %abs3A_232 : vector<16xf32> -> vector<16xi32>
      %shift_right_arithmetic3A_236 = arith.constant 21 : i32
      %shift_right_arithmetic3A_237 = vector.broadcast %shift_right_arithmetic3A_236 : i32 to vector<16xi32>
      %shift_right_arithmetic3A_238 = arith.shrsi %bitcast_convert_type3A_235, %shift_right_arithmetic3A_237 : vector<16xi32>
      %scatter3A_239 = arith.constant 0 : i32
      %scatter3A_240 = arith.constant 0 : i32
      %scatter3A_241 = tpu.memref_slice %arg7[%scatter3A_239, %scatter3A_240] : memref<1x1024xi32, #tpu.memory_space<vmem>> -> memref<1x1024xi32, #tpu.memory_space<vmem>>
      %scatter3A_242 = tpu.memref_squeeze %scatter3A_241 : memref<1x1024xi32, #tpu.memory_space<vmem>> -> memref<1024xi32, #tpu.memory_space<vmem>>
      tpu.vector_store_idx %scatter3A_242[%shift_right_arithmetic3A_238], %broadcast_in_dim3A_0 {add = true} : memref<1024xi32, #tpu.memory_space<vmem>>[vector<16xi32>], vector<16xi32>,
      %mul3A_243 = arith.constant 8 : i32
      %mul3A_244 = arith.muli %mul3A_243, %scan3A_115 : i32
      %add3A_245 = arith.constant 6 : i32
      %add3A_246 = arith.addi %mul3A_244, %add3A_245 : i32
      %mul3A_247 = arith.constant 16 : i32
      %mul3A_248 = arith.muli %add3A_246, %mul3A_247 : i32
      %get3A_249 = arith.index_cast %mul3A_248 : i32 to index
      %get3A_250 = tpu.vector_load %arg5[%get3A_249] {strides = array<i32>} : memref<32768xf32, #tpu.memory_space<vmem>>, vector<16xf32>,
      %get3A_251 = arith.index_cast %mul3A_248 : i32 to index
      %get3A_252 = tpu.vector_load %arg6[%get3A_251] {strides = array<i32>} : memref<32768xf32, #tpu.memory_space<vmem>>, vector<16xf32>,
      %sub3A_253 = arith.subf %get3A_250, %get3A_252 : vector<16xf32>
      %abs3A_254 = math.absf %sub3A_253 : vector<16xf32>
      %swap3A_255 = arith.index_cast %mul3A_248 : i32 to index
      %swap3A_256 = tpu.vector_load %arg5[%swap3A_255] {strides = array<i32>} : memref<32768xf32, #tpu.memory_space<vmem>>, vector<16xf32>,
      tpu.vector_store %arg5[%swap3A_255], %abs3A_254 {strides = array<i32>} : memref<32768xf32, #tpu.memory_space<vmem>>, vector<16xf32>,
      %bitcast_convert_type3A_257 = tpu.bitcast %abs3A_254 : vector<16xf32> -> vector<16xi32>
      %shift_right_arithmetic3A_258 = arith.constant 21 : i32
      %shift_right_arithmetic3A_259 = vector.broadcast %shift_right_arithmetic3A_258 : i32 to vector<16xi32>
      %shift_right_arithmetic3A_260 = arith.shrsi %bitcast_convert_type3A_257, %shift_right_arithmetic3A_259 : vector<16xi32>
      %scatter3A_261 = arith.constant 0 : i32
      %scatter3A_262 = arith.constant 0 : i32
      %scatter3A_263 = tpu.memref_slice %arg7[%scatter3A_261, %scatter3A_262] : memref<1x1024xi32, #tpu.memory_space<vmem>> -> memref<1x1024xi32, #tpu.memory_space<vmem>>
      %scatter3A_264 = tpu.memref_squeeze %scatter3A_263 : memref<1x1024xi32, #tpu.memory_space<vmem>> -> memref<1024xi32, #tpu.memory_space<vmem>>
      tpu.vector_store_idx %scatter3A_264[%shift_right_arithmetic3A_260], %broadcast_in_dim3A_0 {add = true} : memref<1024xi32, #tpu.memory_space<vmem>>[vector<16xi32>], vector<16xi32>,
      %mul3A_265 = arith.constant 8 : i32
      %mul3A_266 = arith.muli %mul3A_265, %scan3A_115 : i32
      %add3A_267 = arith.constant 7 : i32
      %add3A_268 = arith.addi %mul3A_266, %add3A_267 : i32
      %mul3A_269 = arith.constant 16 : i32
      %mul3A_270 = arith.muli %add3A_268, %mul3A_269 : i32
      %get3A_271 = arith.index_cast %mul3A_270 : i32 to index
      %get3A_272 = tpu.vector_load %arg5[%get3A_271] {strides = array<i32>} : memref<32768xf32, #tpu.memory_space<vmem>>, vector<16xf32>,
      %get3A_273 = arith.index_cast %mul3A_270 : i32 to index
      %get3A_274 = tpu.vector_load %arg6[%get3A_273] {strides = array<i32>} : memref<32768xf32, #tpu.memory_space<vmem>>, vector<16xf32>,
      %sub3A_275 = arith.subf %get3A_272, %get3A_274 : vector<16xf32>
      %abs3A_276 = math.absf %sub3A_275 : vector<16xf32>
      %swap3A_277 = arith.index_cast %mul3A_270 : i32 to index
      %swap3A_278 = tpu.vector_load %arg5[%swap3A_277] {strides = array<i32>} : memref<32768xf32, #tpu.memory_space<vmem>>, vector<16xf32>,
      tpu.vector_store %arg5[%swap3A_277], %abs3A_276 {strides = array<i32>} : memref<32768xf32, #tpu.memory_space<vmem>>, vector<16xf32>,
      %bitcast_convert_type3A_279 = tpu.bitcast %abs3A_276 : vector<16xf32> -> vector<16xi32>
      %shift_right_arithmetic3A_280 = arith.constant 21 : i32
      %shift_right_arithmetic3A_281 = vector.broadcast %shift_right_arithmetic3A_280 : i32 to vector<16xi32>
      %shift_right_arithmetic3A_282 = arith.shrsi %bitcast_convert_type3A_279, %shift_right_arithmetic3A_281 : vector<16xi32>
      %scatter3A_283 = arith.constant 0 : i32
      %scatter3A_284 = arith.constant 0 : i32
      %scatter3A_285 = tpu.memref_slice %arg7[%scatter3A_283, %scatter3A_284] : memref<1x1024xi32, #tpu.memory_space<vmem>> -> memref<1x1024xi32, #tpu.memory_space<vmem>>
      %scatter3A_286 = tpu.memref_squeeze %scatter3A_285 : memref<1x1024xi32, #tpu.memory_space<vmem>> -> memref<1024xi32, #tpu.memory_space<vmem>>
      tpu.vector_store_idx %scatter3A_286[%shift_right_arithmetic3A_282], %broadcast_in_dim3A_0 {add = true} : memref<1024xi32, #tpu.memory_space<vmem>>[vector<16xi32>], vector<16xi32>,
      %scan3A_287 = arith.constant 0 : i32
      scf.yield %scan3A_287 : i32
    }
    %scan3A_36 = arith.constant 256 : i32
    %barrier3A_37 = arith.constant 0 : index
    tpu.barrier barrier_id(%barrier3A_37)
    "tpu.region"() ({
      %run_scoped3A_115 = tpu.sem_alloc : memref<!tpu.dma_semaphore, #tpu.memory_space<semaphore_mem>>
      %dma_start3A_116 = arith.constant 0 : i32
      %dma_start3A_117 = arith.constant 0 : i32
      %dma_start3A_118 = tpu.memref_slice %arg15[%dma_start3A_116, %dma_start3A_117] : memref<1x1024xi32, #tpu.memory_space<vmem_shared>> -> memref<1x1024xi32, #tpu.memory_space<vmem_shared>>
      tpu.enqueue_indirect_dma source(%arg7 : memref<1x1024xi32, #tpu.memory_space<vmem>>) target(%dma_start3A_118 : memref<1x1024xi32, #tpu.memory_space<vmem_shared>>) offsets(%arg12 : memref<1xi32, #tpu.memory_space<vmem>>) semaphore(%run_scoped3A_115 : memref<!tpu.dma_semaphore, #tpu.memory_space<semaphore_mem>>) {add = true}
      %dma_wait3A_119 = arith.constant 0 : i32
      %dma_wait3A_120 = arith.constant 0 : i32
      %dma_wait3A_121 = tpu.memref_slice %arg15[%dma_wait3A_119, %dma_wait3A_120] : memref<1x1024xi32, #tpu.memory_space<vmem_shared>> -> memref<1x1024xi32, #tpu.memory_space<vmem_shared>>
      tpu.wait_indirect_dma semaphore(%run_scoped3A_115 : memref<!tpu.dma_semaphore, #tpu.memory_space<semaphore_mem>>) src(%arg7 : memref<1x1024xi32, #tpu.memory_space<vmem>>) dst(%dma_wait3A_121 : memref<1x1024xi32, #tpu.memory_space<vmem_shared>>)
      tpu.yield
    }) : () -> ()
    %barrier3A_38 = arith.constant 0 : index
    tpu.barrier barrier_id(%barrier3A_38)
    %run_scoped3A_39 = arith.constant 0 : i32
    %run_scoped3A_40 = arith.constant 0 : i32
    "tpu.region"() ({
      %run_scoped3A_115 = tpu.sem_alloc : memref<!tpu.dma_semaphore, #tpu.memory_space<semaphore_mem>>
      %dma_start3A_116 = arith.constant 0 : i32
      %dma_start3A_117 = tpu.memref_slice %arg7[%run_scoped3A_40, %dma_start3A_116] : memref<1x1024xi32, #tpu.memory_space<vmem>> -> memref<1x1024xi32, #tpu.memory_space<vmem>>
      %dma_start3A_118 = tpu.memref_squeeze %dma_start3A_117 : memref<1x1024xi32, #tpu.memory_space<vmem>> -> memref<1024xi32, #tpu.memory_space<vmem>>
      %dma_start3A_119 = arith.constant 0 : i32
      %dma_start3A_120 = tpu.memref_slice %arg15[%run_scoped3A_39, %dma_start3A_119] : memref<1x1024xi32, #tpu.memory_space<vmem_shared>> -> memref<1x1024xi32, #tpu.memory_space<vmem_shared>>
      %dma_start3A_121 = tpu.memref_squeeze %dma_start3A_120 : memref<1x1024xi32, #tpu.memory_space<vmem_shared>> -> memref<1024xi32, #tpu.memory_space<vmem_shared>>
      %dma_start3A_122 = arith.constant 0 : i32
      %dma_start3A_123 = tpu.memref_slice %arg7[%run_scoped3A_40, %dma_start3A_122] : memref<1x1024xi32, #tpu.memory_space<vmem>> -> memref<1x1024xi32, #tpu.memory_space<vmem>>
      %dma_start3A_124 = tpu.memref_squeeze %dma_start3A_123 : memref<1x1024xi32, #tpu.memory_space<vmem>> -> memref<1024xi32, #tpu.memory_space<vmem>>
      %dma_start3A_125 = arith.constant 0 : i32
      %dma_start3A_126 = tpu.memref_slice %arg15[%run_scoped3A_39, %dma_start3A_125] : memref<1x1024xi32, #tpu.memory_space<vmem_shared>> -> memref<1x1024xi32, #tpu.memory_space<vmem_shared>>
      %dma_start3A_127 = tpu.memref_squeeze %dma_start3A_126 : memref<1x1024xi32, #tpu.memory_space<vmem_shared>> -> memref<1024xi32, #tpu.memory_space<vmem_shared>>
      tpu.enqueue_dma source(%dma_start3A_127 : memref<1024xi32, #tpu.memory_space<vmem_shared>>) target(%dma_start3A_124 : memref<1024xi32, #tpu.memory_space<vmem>>) target_semaphore(%run_scoped3A_115 : memref<!tpu.dma_semaphore, #tpu.memory_space<semaphore_mem>>)
      %dma_wait3A_128 = arith.constant 0 : i32
      %dma_wait3A_129 = tpu.memref_slice %arg7[%run_scoped3A_40, %dma_wait3A_128] : memref<1x1024xi32, #tpu.memory_space<vmem>> -> memref<1x1024xi32, #tpu.memory_space<vmem>>
      %dma_wait3A_130 = tpu.memref_squeeze %dma_wait3A_129 : memref<1x1024xi32, #tpu.memory_space<vmem>> -> memref<1024xi32, #tpu.memory_space<vmem>>
      %dma_wait3A_131 = arith.constant 0 : i32
      %dma_wait3A_132 = tpu.memref_slice %arg15[%run_scoped3A_39, %dma_wait3A_131] : memref<1x1024xi32, #tpu.memory_space<vmem_shared>> -> memref<1x1024xi32, #tpu.memory_space<vmem_shared>>
      %dma_wait3A_133 = tpu.memref_squeeze %dma_wait3A_132 : memref<1x1024xi32, #tpu.memory_space<vmem_shared>> -> memref<1024xi32, #tpu.memory_space<vmem_shared>>
      %dma_wait3A_134 = arith.constant 0 : i32
      %dma_wait3A_135 = tpu.memref_slice %arg7[%run_scoped3A_40, %dma_wait3A_134] : memref<1x1024xi32, #tpu.memory_space<vmem>> -> memref<1x1024xi32, #tpu.memory_space<vmem>>
      %dma_wait3A_136 = tpu.memref_squeeze %dma_wait3A_135 : memref<1x1024xi32, #tpu.memory_space<vmem>> -> memref<1024xi32, #tpu.memory_space<vmem>>
      %dma_wait3A_137 = arith.constant 0 : i32
      %dma_wait3A_138 = tpu.memref_slice %arg15[%run_scoped3A_39, %dma_wait3A_137] : memref<1x1024xi32, #tpu.memory_space<vmem_shared>> -> memref<1x1024xi32, #tpu.memory_space<vmem_shared>>
      %dma_wait3A_139 = tpu.memref_squeeze %dma_wait3A_138 : memref<1x1024xi32, #tpu.memory_space<vmem_shared>> -> memref<1024xi32, #tpu.memory_space<vmem_shared>>
      tpu.wait_dma2 semaphore(%run_scoped3A_115 : memref<!tpu.dma_semaphore, #tpu.memory_space<semaphore_mem>>) src(%dma_wait3A_139 : memref<1024xi32, #tpu.memory_space<vmem_shared>>) dst(%dma_wait3A_136 : memref<1024xi32, #tpu.memory_space<vmem>>)
      tpu.yield
    }) : () -> ()
    %broadcast_in_dim3A_41 = arith.constant 0 : i32
    %broadcast_in_dim3A_42 = vector.broadcast %broadcast_in_dim3A_41 : i32 to vector<16xi32>
    %broadcast_in_dim3A_43 = arith.constant 0.000000e+00 : f32
    %broadcast_in_dim3A_44 = vector.broadcast %broadcast_in_dim3A_43 : f32 to vector<16xf32>
    %scan3A_45 = arith.constant 0 : i32
    %scan3A_46 = arith.constant 0 : i32
    %scan3A_47 = arith.constant 32 : i32
    %scan3A_48 = arith.addi %scan3A_46, %scan3A_47 : i32
    %scan3A_49 = arith.constant 1 : i32
    %scan3A_50:3 = scf.for %scan3A_115 = %scan3A_46 to %scan3A_48 step %scan3A_49 iter_args(%scan3A_116 = %scan3A_45, %scan3A_117 = %broadcast_in_dim3A_42, %scan3A_118 = %broadcast_in_dim3A_42) -> (i32, vector<16xi32>, vector<16xi32>)  : i32 {
      %mul3A_119 = arith.constant 2 : i32
      %mul3A_120 = arith.muli %mul3A_119, %scan3A_115 : i32
      %mul3A_121 = arith.constant 16 : i32
      %mul3A_122 = arith.muli %mul3A_120, %mul3A_121 : i32
      %get3A = arith.constant 0 : i32
      %get3A_123 = arith.index_cast %get3A : i32 to index
      %get3A_124 = arith.index_cast %mul3A_122 : i32 to index
      %get3A_125 = tpu.vector_load %arg7[%get3A_123, %get3A_124] {strides = array<i32>} : memref<1x1024xi32, #tpu.memory_space<vmem>>, vector<16xi32>,
      %broadcast_in_dim3A_126 = arith.constant true
      %broadcast_in_dim3A_127 = vector.broadcast %broadcast_in_dim3A_126 : i1 to vector<16xi1>
      %masked_cumsum3A = tpu.scan <sum>, %get3A_125 masked %broadcast_in_dim3A_127 : vector<16xi32>, vector<16xi1> -> vector<16xi32>
      %mul3A_128 = arith.constant 2 : i32
      %mul3A_129 = arith.muli %mul3A_128, %scan3A_115 : i32
      %add3A = arith.constant 1 : i32
      %add3A_130 = arith.addi %mul3A_129, %add3A : i32
      %mul3A_131 = arith.constant 16 : i32
      %mul3A_132 = arith.muli %add3A_130, %mul3A_131 : i32
      %get3A_133 = arith.constant 0 : i32
      %get3A_134 = arith.index_cast %get3A_133 : i32 to index
      %get3A_135 = arith.index_cast %mul3A_132 : i32 to index
      %get3A_136 = tpu.vector_load %arg7[%get3A_134, %get3A_135] {strides = array<i32>} : memref<1x1024xi32, #tpu.memory_space<vmem>>, vector<16xi32>,
      %broadcast_in_dim3A_137 = arith.constant true
      %broadcast_in_dim3A_138 = vector.broadcast %broadcast_in_dim3A_137 : i1 to vector<16xi1>
      %masked_cumsum3A_139 = tpu.scan <sum>, %get3A_136 masked %broadcast_in_dim3A_138 : vector<16xi32>, vector<16xi1> -> vector<16xi32>
      %add3A_140 = vector.broadcast %scan3A_116 : i32 to vector<16xi32>
      %add3A_141 = arith.addi %masked_cumsum3A, %add3A_140 : vector<16xi32>
      %reduce_max3A_142 = arith.constant true
      %reduce_max3A_143 = vector.broadcast %reduce_max3A_142 : i1 to vector<16xi1>
      %reduce_max3A_144 = arith.constant -2147483648 : i32
      %reduce_max3A_145 = vector.broadcast %reduce_max3A_144 : i32 to vector<16xi32>
      %reduce_max3A_146 = arith.xori %add3A_141, %reduce_max3A_145 : vector<16xi32>
      %reduce_max3A_147 = tpu.scan <max>, %reduce_max3A_146 masked %reduce_max3A_143 : vector<16xi32>, vector<16xi1> -> vector<16xi32>
      %reduce_max3A_148 = arith.xori %reduce_max3A_147, %reduce_max3A_145 : vector<16xi32>
      %reduce_max3A_149 = vector.extract %reduce_max3A_148[15] : i32 from vector<16xi32>
      %add3A_150 = vector.broadcast %reduce_max3A_149 : i32 to vector<16xi32>
      %add3A_151 = arith.addi %masked_cumsum3A_139, %add3A_150 : vector<16xi32>
      %reduce_max3A_152 = arith.constant true
      %reduce_max3A_153 = vector.broadcast %reduce_max3A_152 : i1 to vector<16xi1>
      %reduce_max3A_154 = arith.constant -2147483648 : i32
      %reduce_max3A_155 = vector.broadcast %reduce_max3A_154 : i32 to vector<16xi32>
      %reduce_max3A_156 = arith.xori %add3A_151, %reduce_max3A_155 : vector<16xi32>
      %reduce_max3A_157 = tpu.scan <max>, %reduce_max3A_156 masked %reduce_max3A_153 : vector<16xi32>, vector<16xi1> -> vector<16xi32>
      %reduce_max3A_158 = arith.xori %reduce_max3A_157, %reduce_max3A_155 : vector<16xi32>
      %reduce_max3A_159 = vector.extract %reduce_max3A_158[15] : i32 from vector<16xi32>
      %lt3A = arith.constant 471860 : i32
      %lt3A_160 = vector.broadcast %lt3A : i32 to vector<16xi32>
      %lt3A_161 = arith.cmpi slt, %add3A_141, %lt3A_160 : vector<16xi32>
      %lt3A_162 = arith.constant 471860 : i32
      %lt3A_163 = vector.broadcast %lt3A_162 : i32 to vector<16xi32>
      %lt3A_164 = arith.cmpi slt, %add3A_151, %lt3A_163 : vector<16xi32>
      %convert_element_type3A_165 = arith.extui %lt3A_161 : vector<16xi1> to vector<16xi32>
      %add3A_166 = arith.addi %scan3A_117, %convert_element_type3A_165 : vector<16xi32>
      %convert_element_type3A_167 = arith.extui %lt3A_164 : vector<16xi1> to vector<16xi32>
      %add3A_168 = arith.addi %add3A_166, %convert_element_type3A_167 : vector<16xi32>
      %jit3A = arith.constant 0 : i32
      %broadcast_in_dim3A_169 = vector.broadcast %jit3A : i32 to vector<16xi32>
      %select_n3A = arith.select %lt3A_161, %add3A_141, %broadcast_in_dim3A_169 : vector<16xi1>, vector<16xi32>
      %max3A = arith.maxsi %scan3A_118, %select_n3A : vector<16xi32>
      %jit3A_170 = arith.constant 0 : i32
      %broadcast_in_dim3A_171 = vector.broadcast %jit3A_170 : i32 to vector<16xi32>
      %select_n3A_172 = arith.select %lt3A_164, %add3A_151, %broadcast_in_dim3A_171 : vector<16xi1>, vector<16xi32>
      %max3A_173 = arith.maxsi %max3A, %select_n3A_172 : vector<16xi32>
      scf.yield %reduce_max3A_159, %add3A_168, %max3A_173 : i32, vector<16xi32>, vector<16xi32>
    }
    %scan3A_51 = arith.constant 32 : i32
    %reduce_sum3A = arith.constant true
    %reduce_sum3A_52 = vector.broadcast %reduce_sum3A : i1 to vector<16xi1>
    %reduce_sum3A_53 = tpu.scan <sum>, %scan3A_50#1 masked %reduce_sum3A_52 : vector<16xi32>, vector<16xi1> -> vector<16xi32>
    %reduce_sum3A_54 = vector.extract %reduce_sum3A_53[15] : i32 from vector<16xi32>
    %reduce_max3A = arith.constant true
    %reduce_max3A_55 = vector.broadcast %reduce_max3A : i1 to vector<16xi1>
    %reduce_max3A_56 = arith.constant -2147483648 : i32
    %reduce_max3A_57 = vector.broadcast %reduce_max3A_56 : i32 to vector<16xi32>
    %reduce_max3A_58 = arith.xori %scan3A_50#2, %reduce_max3A_57 : vector<16xi32>
    %reduce_max3A_59 = tpu.scan <max>, %reduce_max3A_58 masked %reduce_max3A_55 : vector<16xi32>, vector<16xi1> -> vector<16xi32>
    %reduce_max3A_60 = arith.xori %reduce_max3A_59, %reduce_max3A_57 : vector<16xi32>
    %reduce_max3A_61 = vector.extract %reduce_max3A_60[15] : i32 from vector<16xi32>
    %reduce_sum3A_62 = arith.constant true
    %reduce_sum3A_63 = vector.broadcast %reduce_sum3A_62 : i1 to vector<16xi1>
    %reduce_sum3A_64 = tpu.scan <sum>, %broadcast_in_dim3A_44 masked %reduce_sum3A_63 : vector<16xf32>, vector<16xi1> -> vector<16xf32>
    %reduce_sum3A_65 = vector.extract %reduce_sum3A_64[15] : f32 from vector<16xf32>
    %scan3A_66 = arith.constant 0 : i32
    %scan3A_67 = arith.constant 256 : i32
    %scan3A_68 = arith.addi %scan3A_66, %scan3A_67 : i32
    %scan3A_69 = arith.constant 1 : i32
    %scan3A_70 = scf.for %scan3A_115 = %scan3A_66 to %scan3A_68 step %scan3A_69 iter_args(%scan3A_116 = %broadcast_in_dim3A_4) -> (vector<16xf32>)  : i32 {
      %mul3A_117 = arith.constant 8 : i32
      %mul3A_118 = arith.muli %mul3A_117, %scan3A_115 : i32
      %add3A = arith.constant 0 : i32
      %add3A_119 = arith.addi %mul3A_118, %add3A : i32
      %mul3A_120 = arith.constant 16 : i32
      %mul3A_121 = arith.muli %add3A_119, %mul3A_120 : i32
      %get3A = arith.index_cast %mul3A_121 : i32 to index
      %get3A_122 = tpu.vector_load %arg5[%get3A] {strides = array<i32>} : memref<32768xf32, #tpu.memory_space<vmem>>, vector<16xf32>,
      %bitcast_convert_type3A = tpu.bitcast %get3A_122 : vector<16xf32> -> vector<16xi32>
      %shift_right_arithmetic3A = arith.constant 21 : i32
      %shift_right_arithmetic3A_123 = vector.broadcast %shift_right_arithmetic3A : i32 to vector<16xi32>
      %shift_right_arithmetic3A_124 = arith.shrsi %bitcast_convert_type3A, %shift_right_arithmetic3A_123 : vector<16xi32>
      %lt3A = vector.broadcast %reduce_sum3A_54 : i32 to vector<16xi32>
      %lt3A_125 = arith.cmpi slt, %shift_right_arithmetic3A_124, %lt3A : vector<16xi32>
      %jit3A = arith.constant 0.000000e+00 : f32
      %broadcast_in_dim3A_126 = vector.broadcast %jit3A : f32 to vector<16xf32>
      %select_n3A = arith.select %lt3A_125, %get3A_122, %broadcast_in_dim3A_126 : vector<16xi1>, vector<16xf32>
      %add3A_127 = arith.addf %scan3A_116, %select_n3A : vector<16xf32>
      %eq3A_128 = vector.broadcast %reduce_sum3A_54 : i32 to vector<16xi32>
      %eq3A_129 = arith.cmpi eq, %shift_right_arithmetic3A_124, %eq3A_128 : vector<16xi32>
      %shift_right_arithmetic3A_130 = arith.constant 10 : i32
      %shift_right_arithmetic3A_131 = vector.broadcast %shift_right_arithmetic3A_130 : i32 to vector<16xi32>
      %shift_right_arithmetic3A_132 = arith.shrsi %bitcast_convert_type3A, %shift_right_arithmetic3A_131 : vector<16xi32>
      %and3A = arith.constant 2047 : i32
      %and3A_133 = vector.broadcast %and3A : i32 to vector<16xi32>
      %and3A_134 = arith.andi %shift_right_arithmetic3A_132, %and3A_133 : vector<16xi32>
      %scatter3A = arith.constant 0 : i32
      %scatter3A_135 = arith.constant 0 : i32
      %scatter3A_136 = tpu.memref_slice %arg8[%scatter3A, %scatter3A_135] : memref<1x2048xi32, #tpu.memory_space<vmem>> -> memref<1x2048xi32, #tpu.memory_space<vmem>>
      %scatter3A_137 = tpu.memref_squeeze %scatter3A_136 : memref<1x2048xi32, #tpu.memory_space<vmem>> -> memref<2048xi32, #tpu.memory_space<vmem>>
      tpu.vector_store_idx %scatter3A_137[%and3A_134], %broadcast_in_dim3A_0 masked %eq3A_129 {add = true} : memref<2048xi32, #tpu.memory_space<vmem>>[vector<16xi32>], vector<16xi32>, vector<16xi1>
      %scatter3A_138 = arith.constant 0 : i32
      %scatter3A_139 = arith.constant 0 : i32
      %scatter3A_140 = tpu.memref_slice %arg9[%scatter3A_138, %scatter3A_139] : memref<1x2048xf32, #tpu.memory_space<vmem>> -> memref<1x2048xf32, #tpu.memory_space<vmem>>
      %scatter3A_141 = tpu.memref_squeeze %scatter3A_140 : memref<1x2048xf32, #tpu.memory_space<vmem>> -> memref<2048xf32, #tpu.memory_space<vmem>>
      tpu.vector_store_idx %scatter3A_141[%and3A_134], %get3A_122 masked %eq3A_129 {add = true} : memref<2048xf32, #tpu.memory_space<vmem>>[vector<16xi32>], vector<16xf32>, vector<16xi1>
      %mul3A_142 = arith.constant 8 : i32
      %mul3A_143 = arith.muli %mul3A_142, %scan3A_115 : i32
      %add3A_144 = arith.constant 1 : i32
      %add3A_145 = arith.addi %mul3A_143, %add3A_144 : i32
      %mul3A_146 = arith.constant 16 : i32
      %mul3A_147 = arith.muli %add3A_145, %mul3A_146 : i32
      %get3A_148 = arith.index_cast %mul3A_147 : i32 to index
      %get3A_149 = tpu.vector_load %arg5[%get3A_148] {strides = array<i32>} : memref<32768xf32, #tpu.memory_space<vmem>>, vector<16xf32>,
      %bitcast_convert_type3A_150 = tpu.bitcast %get3A_149 : vector<16xf32> -> vector<16xi32>
      %shift_right_arithmetic3A_151 = arith.constant 21 : i32
      %shift_right_arithmetic3A_152 = vector.broadcast %shift_right_arithmetic3A_151 : i32 to vector<16xi32>
      %shift_right_arithmetic3A_153 = arith.shrsi %bitcast_convert_type3A_150, %shift_right_arithmetic3A_152 : vector<16xi32>
      %lt3A_154 = vector.broadcast %reduce_sum3A_54 : i32 to vector<16xi32>
      %lt3A_155 = arith.cmpi slt, %shift_right_arithmetic3A_153, %lt3A_154 : vector<16xi32>
      %jit3A_156 = arith.constant 0.000000e+00 : f32
      %broadcast_in_dim3A_157 = vector.broadcast %jit3A_156 : f32 to vector<16xf32>
      %select_n3A_158 = arith.select %lt3A_155, %get3A_149, %broadcast_in_dim3A_157 : vector<16xi1>, vector<16xf32>
      %add3A_159 = arith.addf %add3A_127, %select_n3A_158 : vector<16xf32>
      %eq3A_160 = vector.broadcast %reduce_sum3A_54 : i32 to vector<16xi32>
      %eq3A_161 = arith.cmpi eq, %shift_right_arithmetic3A_153, %eq3A_160 : vector<16xi32>
      %shift_right_arithmetic3A_162 = arith.constant 10 : i32
      %shift_right_arithmetic3A_163 = vector.broadcast %shift_right_arithmetic3A_162 : i32 to vector<16xi32>
      %shift_right_arithmetic3A_164 = arith.shrsi %bitcast_convert_type3A_150, %shift_right_arithmetic3A_163 : vector<16xi32>
      %and3A_165 = arith.constant 2047 : i32
      %and3A_166 = vector.broadcast %and3A_165 : i32 to vector<16xi32>
      %and3A_167 = arith.andi %shift_right_arithmetic3A_164, %and3A_166 : vector<16xi32>
      %scatter3A_168 = arith.constant 0 : i32
      %scatter3A_169 = arith.constant 0 : i32
      %scatter3A_170 = tpu.memref_slice %arg8[%scatter3A_168, %scatter3A_169] : memref<1x2048xi32, #tpu.memory_space<vmem>> -> memref<1x2048xi32, #tpu.memory_space<vmem>>
      %scatter3A_171 = tpu.memref_squeeze %scatter3A_170 : memref<1x2048xi32, #tpu.memory_space<vmem>> -> memref<2048xi32, #tpu.memory_space<vmem>>
      tpu.vector_store_idx %scatter3A_171[%and3A_167], %broadcast_in_dim3A_0 masked %eq3A_161 {add = true} : memref<2048xi32, #tpu.memory_space<vmem>>[vector<16xi32>], vector<16xi32>, vector<16xi1>
      %scatter3A_172 = arith.constant 0 : i32
      %scatter3A_173 = arith.constant 0 : i32
      %scatter3A_174 = tpu.memref_slice %arg9[%scatter3A_172, %scatter3A_173] : memref<1x2048xf32, #tpu.memory_space<vmem>> -> memref<1x2048xf32, #tpu.memory_space<vmem>>
      %scatter3A_175 = tpu.memref_squeeze %scatter3A_174 : memref<1x2048xf32, #tpu.memory_space<vmem>> -> memref<2048xf32, #tpu.memory_space<vmem>>
      tpu.vector_store_idx %scatter3A_175[%and3A_167], %get3A_149 masked %eq3A_161 {add = true} : memref<2048xf32, #tpu.memory_space<vmem>>[vector<16xi32>], vector<16xf32>, vector<16xi1>
      %mul3A_176 = arith.constant 8 : i32
      %mul3A_177 = arith.muli %mul3A_176, %scan3A_115 : i32
      %add3A_178 = arith.constant 2 : i32
      %add3A_179 = arith.addi %mul3A_177, %add3A_178 : i32
      %mul3A_180 = arith.constant 16 : i32
      %mul3A_181 = arith.muli %add3A_179, %mul3A_180 : i32
      %get3A_182 = arith.index_cast %mul3A_181 : i32 to index
      %get3A_183 = tpu.vector_load %arg5[%get3A_182] {strides = array<i32>} : memref<32768xf32, #tpu.memory_space<vmem>>, vector<16xf32>,
      %bitcast_convert_type3A_184 = tpu.bitcast %get3A_183 : vector<16xf32> -> vector<16xi32>
      %shift_right_arithmetic3A_185 = arith.constant 21 : i32
      %shift_right_arithmetic3A_186 = vector.broadcast %shift_right_arithmetic3A_185 : i32 to vector<16xi32>
      %shift_right_arithmetic3A_187 = arith.shrsi %bitcast_convert_type3A_184, %shift_right_arithmetic3A_186 : vector<16xi32>
      %lt3A_188 = vector.broadcast %reduce_sum3A_54 : i32 to vector<16xi32>
      %lt3A_189 = arith.cmpi slt, %shift_right_arithmetic3A_187, %lt3A_188 : vector<16xi32>
      %jit3A_190 = arith.constant 0.000000e+00 : f32
      %broadcast_in_dim3A_191 = vector.broadcast %jit3A_190 : f32 to vector<16xf32>
      %select_n3A_192 = arith.select %lt3A_189, %get3A_183, %broadcast_in_dim3A_191 : vector<16xi1>, vector<16xf32>
      %add3A_193 = arith.addf %add3A_159, %select_n3A_192 : vector<16xf32>
      %eq3A_194 = vector.broadcast %reduce_sum3A_54 : i32 to vector<16xi32>
      %eq3A_195 = arith.cmpi eq, %shift_right_arithmetic3A_187, %eq3A_194 : vector<16xi32>
      %shift_right_arithmetic3A_196 = arith.constant 10 : i32
      %shift_right_arithmetic3A_197 = vector.broadcast %shift_right_arithmetic3A_196 : i32 to vector<16xi32>
      %shift_right_arithmetic3A_198 = arith.shrsi %bitcast_convert_type3A_184, %shift_right_arithmetic3A_197 : vector<16xi32>
      %and3A_199 = arith.constant 2047 : i32
      %and3A_200 = vector.broadcast %and3A_199 : i32 to vector<16xi32>
      %and3A_201 = arith.andi %shift_right_arithmetic3A_198, %and3A_200 : vector<16xi32>
      %scatter3A_202 = arith.constant 0 : i32
      %scatter3A_203 = arith.constant 0 : i32
      %scatter3A_204 = tpu.memref_slice %arg8[%scatter3A_202, %scatter3A_203] : memref<1x2048xi32, #tpu.memory_space<vmem>> -> memref<1x2048xi32, #tpu.memory_space<vmem>>
      %scatter3A_205 = tpu.memref_squeeze %scatter3A_204 : memref<1x2048xi32, #tpu.memory_space<vmem>> -> memref<2048xi32, #tpu.memory_space<vmem>>
      tpu.vector_store_idx %scatter3A_205[%and3A_201], %broadcast_in_dim3A_0 masked %eq3A_195 {add = true} : memref<2048xi32, #tpu.memory_space<vmem>>[vector<16xi32>], vector<16xi32>, vector<16xi1>
      %scatter3A_206 = arith.constant 0 : i32
      %scatter3A_207 = arith.constant 0 : i32
      %scatter3A_208 = tpu.memref_slice %arg9[%scatter3A_206, %scatter3A_207] : memref<1x2048xf32, #tpu.memory_space<vmem>> -> memref<1x2048xf32, #tpu.memory_space<vmem>>
      %scatter3A_209 = tpu.memref_squeeze %scatter3A_208 : memref<1x2048xf32, #tpu.memory_space<vmem>> -> memref<2048xf32, #tpu.memory_space<vmem>>
      tpu.vector_store_idx %scatter3A_209[%and3A_201], %get3A_183 masked %eq3A_195 {add = true} : memref<2048xf32, #tpu.memory_space<vmem>>[vector<16xi32>], vector<16xf32>, vector<16xi1>
      %mul3A_210 = arith.constant 8 : i32
      %mul3A_211 = arith.muli %mul3A_210, %scan3A_115 : i32
      %add3A_212 = arith.constant 3 : i32
      %add3A_213 = arith.addi %mul3A_211, %add3A_212 : i32
      %mul3A_214 = arith.constant 16 : i32
      %mul3A_215 = arith.muli %add3A_213, %mul3A_214 : i32
      %get3A_216 = arith.index_cast %mul3A_215 : i32 to index
      %get3A_217 = tpu.vector_load %arg5[%get3A_216] {strides = array<i32>} : memref<32768xf32, #tpu.memory_space<vmem>>, vector<16xf32>,
      %bitcast_convert_type3A_218 = tpu.bitcast %get3A_217 : vector<16xf32> -> vector<16xi32>
      %shift_right_arithmetic3A_219 = arith.constant 21 : i32
      %shift_right_arithmetic3A_220 = vector.broadcast %shift_right_arithmetic3A_219 : i32 to vector<16xi32>
      %shift_right_arithmetic3A_221 = arith.shrsi %bitcast_convert_type3A_218, %shift_right_arithmetic3A_220 : vector<16xi32>
      %lt3A_222 = vector.broadcast %reduce_sum3A_54 : i32 to vector<16xi32>
      %lt3A_223 = arith.cmpi slt, %shift_right_arithmetic3A_221, %lt3A_222 : vector<16xi32>
      %jit3A_224 = arith.constant 0.000000e+00 : f32
      %broadcast_in_dim3A_225 = vector.broadcast %jit3A_224 : f32 to vector<16xf32>
      %select_n3A_226 = arith.select %lt3A_223, %get3A_217, %broadcast_in_dim3A_225 : vector<16xi1>, vector<16xf32>
      %add3A_227 = arith.addf %add3A_193, %select_n3A_226 : vector<16xf32>
      %eq3A_228 = vector.broadcast %reduce_sum3A_54 : i32 to vector<16xi32>
      %eq3A_229 = arith.cmpi eq, %shift_right_arithmetic3A_221, %eq3A_228 : vector<16xi32>
      %shift_right_arithmetic3A_230 = arith.constant 10 : i32
      %shift_right_arithmetic3A_231 = vector.broadcast %shift_right_arithmetic3A_230 : i32 to vector<16xi32>
      %shift_right_arithmetic3A_232 = arith.shrsi %bitcast_convert_type3A_218, %shift_right_arithmetic3A_231 : vector<16xi32>
      %and3A_233 = arith.constant 2047 : i32
      %and3A_234 = vector.broadcast %and3A_233 : i32 to vector<16xi32>
      %and3A_235 = arith.andi %shift_right_arithmetic3A_232, %and3A_234 : vector<16xi32>
      %scatter3A_236 = arith.constant 0 : i32
      %scatter3A_237 = arith.constant 0 : i32
      %scatter3A_238 = tpu.memref_slice %arg8[%scatter3A_236, %scatter3A_237] : memref<1x2048xi32, #tpu.memory_space<vmem>> -> memref<1x2048xi32, #tpu.memory_space<vmem>>
      %scatter3A_239 = tpu.memref_squeeze %scatter3A_238 : memref<1x2048xi32, #tpu.memory_space<vmem>> -> memref<2048xi32, #tpu.memory_space<vmem>>
      tpu.vector_store_idx %scatter3A_239[%and3A_235], %broadcast_in_dim3A_0 masked %eq3A_229 {add = true} : memref<2048xi32, #tpu.memory_space<vmem>>[vector<16xi32>], vector<16xi32>, vector<16xi1>
      %scatter3A_240 = arith.constant 0 : i32
      %scatter3A_241 = arith.constant 0 : i32
      %scatter3A_242 = tpu.memref_slice %arg9[%scatter3A_240, %scatter3A_241] : memref<1x2048xf32, #tpu.memory_space<vmem>> -> memref<1x2048xf32, #tpu.memory_space<vmem>>
      %scatter3A_243 = tpu.memref_squeeze %scatter3A_242 : memref<1x2048xf32, #tpu.memory_space<vmem>> -> memref<2048xf32, #tpu.memory_space<vmem>>
      tpu.vector_store_idx %scatter3A_243[%and3A_235], %get3A_217 masked %eq3A_229 {add = true} : memref<2048xf32, #tpu.memory_space<vmem>>[vector<16xi32>], vector<16xf32>, vector<16xi1>
      %mul3A_244 = arith.constant 8 : i32
      %mul3A_245 = arith.muli %mul3A_244, %scan3A_115 : i32
      %add3A_246 = arith.constant 4 : i32
      %add3A_247 = arith.addi %mul3A_245, %add3A_246 : i32
      %mul3A_248 = arith.constant 16 : i32
      %mul3A_249 = arith.muli %add3A_247, %mul3A_248 : i32
      %get3A_250 = arith.index_cast %mul3A_249 : i32 to index
      %get3A_251 = tpu.vector_load %arg5[%get3A_250] {strides = array<i32>} : memref<32768xf32, #tpu.memory_space<vmem>>, vector<16xf32>,
      %bitcast_convert_type3A_252 = tpu.bitcast %get3A_251 : vector<16xf32> -> vector<16xi32>
      %shift_right_arithmetic3A_253 = arith.constant 21 : i32
      %shift_right_arithmetic3A_254 = vector.broadcast %shift_right_arithmetic3A_253 : i32 to vector<16xi32>
      %shift_right_arithmetic3A_255 = arith.shrsi %bitcast_convert_type3A_252, %shift_right_arithmetic3A_254 : vector<16xi32>
      %lt3A_256 = vector.broadcast %reduce_sum3A_54 : i32 to vector<16xi32>
      %lt3A_257 = arith.cmpi slt, %shift_right_arithmetic3A_255, %lt3A_256 : vector<16xi32>
      %jit3A_258 = arith.constant 0.000000e+00 : f32
      %broadcast_in_dim3A_259 = vector.broadcast %jit3A_258 : f32 to vector<16xf32>
      %select_n3A_260 = arith.select %lt3A_257, %get3A_251, %broadcast_in_dim3A_259 : vector<16xi1>, vector<16xf32>
      %add3A_261 = arith.addf %add3A_227, %select_n3A_260 : vector<16xf32>
      %eq3A_262 = vector.broadcast %reduce_sum3A_54 : i32 to vector<16xi32>
      %eq3A_263 = arith.cmpi eq, %shift_right_arithmetic3A_255, %eq3A_262 : vector<16xi32>
      %shift_right_arithmetic3A_264 = arith.constant 10 : i32
      %shift_right_arithmetic3A_265 = vector.broadcast %shift_right_arithmetic3A_264 : i32 to vector<16xi32>
      %shift_right_arithmetic3A_266 = arith.shrsi %bitcast_convert_type3A_252, %shift_right_arithmetic3A_265 : vector<16xi32>
      %and3A_267 = arith.constant 2047 : i32
      %and3A_268 = vector.broadcast %and3A_267 : i32 to vector<16xi32>
      %and3A_269 = arith.andi %shift_right_arithmetic3A_266, %and3A_268 : vector<16xi32>
      %scatter3A_270 = arith.constant 0 : i32
      %scatter3A_271 = arith.constant 0 : i32
      %scatter3A_272 = tpu.memref_slice %arg8[%scatter3A_270, %scatter3A_271] : memref<1x2048xi32, #tpu.memory_space<vmem>> -> memref<1x2048xi32, #tpu.memory_space<vmem>>
      %scatter3A_273 = tpu.memref_squeeze %scatter3A_272 : memref<1x2048xi32, #tpu.memory_space<vmem>> -> memref<2048xi32, #tpu.memory_space<vmem>>
      tpu.vector_store_idx %scatter3A_273[%and3A_269], %broadcast_in_dim3A_0 masked %eq3A_263 {add = true} : memref<2048xi32, #tpu.memory_space<vmem>>[vector<16xi32>], vector<16xi32>, vector<16xi1>
      %scatter3A_274 = arith.constant 0 : i32
      %scatter3A_275 = arith.constant 0 : i32
      %scatter3A_276 = tpu.memref_slice %arg9[%scatter3A_274, %scatter3A_275] : memref<1x2048xf32, #tpu.memory_space<vmem>> -> memref<1x2048xf32, #tpu.memory_space<vmem>>
      %scatter3A_277 = tpu.memref_squeeze %scatter3A_276 : memref<1x2048xf32, #tpu.memory_space<vmem>> -> memref<2048xf32, #tpu.memory_space<vmem>>
      tpu.vector_store_idx %scatter3A_277[%and3A_269], %get3A_251 masked %eq3A_263 {add = true} : memref<2048xf32, #tpu.memory_space<vmem>>[vector<16xi32>], vector<16xf32>, vector<16xi1>
      %mul3A_278 = arith.constant 8 : i32
      %mul3A_279 = arith.muli %mul3A_278, %scan3A_115 : i32
      %add3A_280 = arith.constant 5 : i32
      %add3A_281 = arith.addi %mul3A_279, %add3A_280 : i32
      %mul3A_282 = arith.constant 16 : i32
      %mul3A_283 = arith.muli %add3A_281, %mul3A_282 : i32
      %get3A_284 = arith.index_cast %mul3A_283 : i32 to index
      %get3A_285 = tpu.vector_load %arg5[%get3A_284] {strides = array<i32>} : memref<32768xf32, #tpu.memory_space<vmem>>, vector<16xf32>,
      %bitcast_convert_type3A_286 = tpu.bitcast %get3A_285 : vector<16xf32> -> vector<16xi32>
      %shift_right_arithmetic3A_287 = arith.constant 21 : i32
      %shift_right_arithmetic3A_288 = vector.broadcast %shift_right_arithmetic3A_287 : i32 to vector<16xi32>
      %shift_right_arithmetic3A_289 = arith.shrsi %bitcast_convert_type3A_286, %shift_right_arithmetic3A_288 : vector<16xi32>
      %lt3A_290 = vector.broadcast %reduce_sum3A_54 : i32 to vector<16xi32>
      %lt3A_291 = arith.cmpi slt, %shift_right_arithmetic3A_289, %lt3A_290 : vector<16xi32>
      %jit3A_292 = arith.constant 0.000000e+00 : f32
      %broadcast_in_dim3A_293 = vector.broadcast %jit3A_292 : f32 to vector<16xf32>
      %select_n3A_294 = arith.select %lt3A_291, %get3A_285, %broadcast_in_dim3A_293 : vector<16xi1>, vector<16xf32>
      %add3A_295 = arith.addf %add3A_261, %select_n3A_294 : vector<16xf32>
      %eq3A_296 = vector.broadcast %reduce_sum3A_54 : i32 to vector<16xi32>
      %eq3A_297 = arith.cmpi eq, %shift_right_arithmetic3A_289, %eq3A_296 : vector<16xi32>
      %shift_right_arithmetic3A_298 = arith.constant 10 : i32
      %shift_right_arithmetic3A_299 = vector.broadcast %shift_right_arithmetic3A_298 : i32 to vector<16xi32>
      %shift_right_arithmetic3A_300 = arith.shrsi %bitcast_convert_type3A_286, %shift_right_arithmetic3A_299 : vector<16xi32>
      %and3A_301 = arith.constant 2047 : i32
      %and3A_302 = vector.broadcast %and3A_301 : i32 to vector<16xi32>
      %and3A_303 = arith.andi %shift_right_arithmetic3A_300, %and3A_302 : vector<16xi32>
      %scatter3A_304 = arith.constant 0 : i32
      %scatter3A_305 = arith.constant 0 : i32
      %scatter3A_306 = tpu.memref_slice %arg8[%scatter3A_304, %scatter3A_305] : memref<1x2048xi32, #tpu.memory_space<vmem>> -> memref<1x2048xi32, #tpu.memory_space<vmem>>
      %scatter3A_307 = tpu.memref_squeeze %scatter3A_306 : memref<1x2048xi32, #tpu.memory_space<vmem>> -> memref<2048xi32, #tpu.memory_space<vmem>>
      tpu.vector_store_idx %scatter3A_307[%and3A_303], %broadcast_in_dim3A_0 masked %eq3A_297 {add = true} : memref<2048xi32, #tpu.memory_space<vmem>>[vector<16xi32>], vector<16xi32>, vector<16xi1>
      %scatter3A_308 = arith.constant 0 : i32
      %scatter3A_309 = arith.constant 0 : i32
      %scatter3A_310 = tpu.memref_slice %arg9[%scatter3A_308, %scatter3A_309] : memref<1x2048xf32, #tpu.memory_space<vmem>> -> memref<1x2048xf32, #tpu.memory_space<vmem>>
      %scatter3A_311 = tpu.memref_squeeze %scatter3A_310 : memref<1x2048xf32, #tpu.memory_space<vmem>> -> memref<2048xf32, #tpu.memory_space<vmem>>
      tpu.vector_store_idx %scatter3A_311[%and3A_303], %get3A_285 masked %eq3A_297 {add = true} : memref<2048xf32, #tpu.memory_space<vmem>>[vector<16xi32>], vector<16xf32>, vector<16xi1>
      %mul3A_312 = arith.constant 8 : i32
      %mul3A_313 = arith.muli %mul3A_312, %scan3A_115 : i32
      %add3A_314 = arith.constant 6 : i32
      %add3A_315 = arith.addi %mul3A_313, %add3A_314 : i32
      %mul3A_316 = arith.constant 16 : i32
      %mul3A_317 = arith.muli %add3A_315, %mul3A_316 : i32
      %get3A_318 = arith.index_cast %mul3A_317 : i32 to index
      %get3A_319 = tpu.vector_load %arg5[%get3A_318] {strides = array<i32>} : memref<32768xf32, #tpu.memory_space<vmem>>, vector<16xf32>,
      %bitcast_convert_type3A_320 = tpu.bitcast %get3A_319 : vector<16xf32> -> vector<16xi32>
      %shift_right_arithmetic3A_321 = arith.constant 21 : i32
      %shift_right_arithmetic3A_322 = vector.broadcast %shift_right_arithmetic3A_321 : i32 to vector<16xi32>
      %shift_right_arithmetic3A_323 = arith.shrsi %bitcast_convert_type3A_320, %shift_right_arithmetic3A_322 : vector<16xi32>
      %lt3A_324 = vector.broadcast %reduce_sum3A_54 : i32 to vector<16xi32>
      %lt3A_325 = arith.cmpi slt, %shift_right_arithmetic3A_323, %lt3A_324 : vector<16xi32>
      %jit3A_326 = arith.constant 0.000000e+00 : f32
      %broadcast_in_dim3A_327 = vector.broadcast %jit3A_326 : f32 to vector<16xf32>
      %select_n3A_328 = arith.select %lt3A_325, %get3A_319, %broadcast_in_dim3A_327 : vector<16xi1>, vector<16xf32>
      %add3A_329 = arith.addf %add3A_295, %select_n3A_328 : vector<16xf32>
      %eq3A_330 = vector.broadcast %reduce_sum3A_54 : i32 to vector<16xi32>
      %eq3A_331 = arith.cmpi eq, %shift_right_arithmetic3A_323, %eq3A_330 : vector<16xi32>
      %shift_right_arithmetic3A_332 = arith.constant 10 : i32
      %shift_right_arithmetic3A_333 = vector.broadcast %shift_right_arithmetic3A_332 : i32 to vector<16xi32>
      %shift_right_arithmetic3A_334 = arith.shrsi %bitcast_convert_type3A_320, %shift_right_arithmetic3A_333 : vector<16xi32>
      %and3A_335 = arith.constant 2047 : i32
      %and3A_336 = vector.broadcast %and3A_335 : i32 to vector<16xi32>
      %and3A_337 = arith.andi %shift_right_arithmetic3A_334, %and3A_336 : vector<16xi32>
      %scatter3A_338 = arith.constant 0 : i32
      %scatter3A_339 = arith.constant 0 : i32
      %scatter3A_340 = tpu.memref_slice %arg8[%scatter3A_338, %scatter3A_339] : memref<1x2048xi32, #tpu.memory_space<vmem>> -> memref<1x2048xi32, #tpu.memory_space<vmem>>
      %scatter3A_341 = tpu.memref_squeeze %scatter3A_340 : memref<1x2048xi32, #tpu.memory_space<vmem>> -> memref<2048xi32, #tpu.memory_space<vmem>>
      tpu.vector_store_idx %scatter3A_341[%and3A_337], %broadcast_in_dim3A_0 masked %eq3A_331 {add = true} : memref<2048xi32, #tpu.memory_space<vmem>>[vector<16xi32>], vector<16xi32>, vector<16xi1>
      %scatter3A_342 = arith.constant 0 : i32
      %scatter3A_343 = arith.constant 0 : i32
      %scatter3A_344 = tpu.memref_slice %arg9[%scatter3A_342, %scatter3A_343] : memref<1x2048xf32, #tpu.memory_space<vmem>> -> memref<1x2048xf32, #tpu.memory_space<vmem>>
      %scatter3A_345 = tpu.memref_squeeze %scatter3A_344 : memref<1x2048xf32, #tpu.memory_space<vmem>> -> memref<2048xf32, #tpu.memory_space<vmem>>
      tpu.vector_store_idx %scatter3A_345[%and3A_337], %get3A_319 masked %eq3A_331 {add = true} : memref<2048xf32, #tpu.memory_space<vmem>>[vector<16xi32>], vector<16xf32>, vector<16xi1>
      %mul3A_346 = arith.constant 8 : i32
      %mul3A_347 = arith.muli %mul3A_346, %scan3A_115 : i32
      %add3A_348 = arith.constant 7 : i32
      %add3A_349 = arith.addi %mul3A_347, %add3A_348 : i32
      %mul3A_350 = arith.constant 16 : i32
      %mul3A_351 = arith.muli %add3A_349, %mul3A_350 : i32
      %get3A_352 = arith.index_cast %mul3A_351 : i32 to index
      %get3A_353 = tpu.vector_load %arg5[%get3A_352] {strides = array<i32>} : memref<32768xf32, #tpu.memory_space<vmem>>, vector<16xf32>,
      %bitcast_convert_type3A_354 = tpu.bitcast %get3A_353 : vector<16xf32> -> vector<16xi32>
      %shift_right_arithmetic3A_355 = arith.constant 21 : i32
      %shift_right_arithmetic3A_356 = vector.broadcast %shift_right_arithmetic3A_355 : i32 to vector<16xi32>
      %shift_right_arithmetic3A_357 = arith.shrsi %bitcast_convert_type3A_354, %shift_right_arithmetic3A_356 : vector<16xi32>
      %lt3A_358 = vector.broadcast %reduce_sum3A_54 : i32 to vector<16xi32>
      %lt3A_359 = arith.cmpi slt, %shift_right_arithmetic3A_357, %lt3A_358 : vector<16xi32>
      %jit3A_360 = arith.constant 0.000000e+00 : f32
      %broadcast_in_dim3A_361 = vector.broadcast %jit3A_360 : f32 to vector<16xf32>
      %select_n3A_362 = arith.select %lt3A_359, %get3A_353, %broadcast_in_dim3A_361 : vector<16xi1>, vector<16xf32>
      %add3A_363 = arith.addf %add3A_329, %select_n3A_362 : vector<16xf32>
      %eq3A_364 = vector.broadcast %reduce_sum3A_54 : i32 to vector<16xi32>
      %eq3A_365 = arith.cmpi eq, %shift_right_arithmetic3A_357, %eq3A_364 : vector<16xi32>
      %shift_right_arithmetic3A_366 = arith.constant 10 : i32
      %shift_right_arithmetic3A_367 = vector.broadcast %shift_right_arithmetic3A_366 : i32 to vector<16xi32>
      %shift_right_arithmetic3A_368 = arith.shrsi %bitcast_convert_type3A_354, %shift_right_arithmetic3A_367 : vector<16xi32>
      %and3A_369 = arith.constant 2047 : i32
      %and3A_370 = vector.broadcast %and3A_369 : i32 to vector<16xi32>
      %and3A_371 = arith.andi %shift_right_arithmetic3A_368, %and3A_370 : vector<16xi32>
      %scatter3A_372 = arith.constant 0 : i32
      %scatter3A_373 = arith.constant 0 : i32
      %scatter3A_374 = tpu.memref_slice %arg8[%scatter3A_372, %scatter3A_373] : memref<1x2048xi32, #tpu.memory_space<vmem>> -> memref<1x2048xi32, #tpu.memory_space<vmem>>
      %scatter3A_375 = tpu.memref_squeeze %scatter3A_374 : memref<1x2048xi32, #tpu.memory_space<vmem>> -> memref<2048xi32, #tpu.memory_space<vmem>>
      tpu.vector_store_idx %scatter3A_375[%and3A_371], %broadcast_in_dim3A_0 masked %eq3A_365 {add = true} : memref<2048xi32, #tpu.memory_space<vmem>>[vector<16xi32>], vector<16xi32>, vector<16xi1>
      %scatter3A_376 = arith.constant 0 : i32
      %scatter3A_377 = arith.constant 0 : i32
      %scatter3A_378 = tpu.memref_slice %arg9[%scatter3A_376, %scatter3A_377] : memref<1x2048xf32, #tpu.memory_space<vmem>> -> memref<1x2048xf32, #tpu.memory_space<vmem>>
      %scatter3A_379 = tpu.memref_squeeze %scatter3A_378 : memref<1x2048xf32, #tpu.memory_space<vmem>> -> memref<2048xf32, #tpu.memory_space<vmem>>
      tpu.vector_store_idx %scatter3A_379[%and3A_371], %get3A_353 masked %eq3A_365 {add = true} : memref<2048xf32, #tpu.memory_space<vmem>>[vector<16xi32>], vector<16xf32>, vector<16xi1>
      scf.yield %add3A_363 : vector<16xf32>
    }
    %scan3A_71 = arith.constant 256 : i32
    %swap3A_72 = arith.constant 0 : i32
    %swap3A_73 = arith.index_cast %swap3A_72 : i32 to index
    %swap3A_74 = arith.constant 0 : index
    %swap3A_75 = tpu.vector_load %arg10[%swap3A_73, %swap3A_74] {strides = array<i32>} : memref<1x16xf32, #tpu.memory_space<vmem>>, vector<16xf32>,
    tpu.vector_store %arg10[%swap3A_73, %swap3A_74], %scan3A_70 {strides = array<i32>} : memref<1x16xf32, #tpu.memory_space<vmem>>, vector<16xf32>,
    %barrier3A_76 = arith.constant 0 : index
    tpu.barrier barrier_id(%barrier3A_76)
    "tpu.region"() ({
      %run_scoped3A_115 = tpu.sem_alloc : memref<!tpu.dma_semaphore, #tpu.memory_space<semaphore_mem>>
      %dma_start3A_116 = arith.constant 0 : i32
      %dma_start3A_117 = arith.constant 0 : i32
      %dma_start3A_118 = tpu.memref_slice %arg16[%dma_start3A_116, %dma_start3A_117] : memref<1x2048xi32, #tpu.memory_space<vmem_shared>> -> memref<1x2048xi32, #tpu.memory_space<vmem_shared>>
      tpu.enqueue_indirect_dma source(%arg8 : memref<1x2048xi32, #tpu.memory_space<vmem>>) target(%dma_start3A_118 : memref<1x2048xi32, #tpu.memory_space<vmem_shared>>) offsets(%arg12 : memref<1xi32, #tpu.memory_space<vmem>>) semaphore(%run_scoped3A_115 : memref<!tpu.dma_semaphore, #tpu.memory_space<semaphore_mem>>) {add = true}
      %dma_wait3A_119 = arith.constant 0 : i32
      %dma_wait3A_120 = arith.constant 0 : i32
      %dma_wait3A_121 = tpu.memref_slice %arg16[%dma_wait3A_119, %dma_wait3A_120] : memref<1x2048xi32, #tpu.memory_space<vmem_shared>> -> memref<1x2048xi32, #tpu.memory_space<vmem_shared>>
      tpu.wait_indirect_dma semaphore(%run_scoped3A_115 : memref<!tpu.dma_semaphore, #tpu.memory_space<semaphore_mem>>) src(%arg8 : memref<1x2048xi32, #tpu.memory_space<vmem>>) dst(%dma_wait3A_121 : memref<1x2048xi32, #tpu.memory_space<vmem_shared>>)
      tpu.yield
    }) : () -> ()
    "tpu.region"() ({
      %run_scoped3A_115 = tpu.sem_alloc : memref<!tpu.dma_semaphore, #tpu.memory_space<semaphore_mem>>
      %dma_start3A_116 = arith.constant 0 : i32
      %dma_start3A_117 = arith.constant 0 : i32
      %dma_start3A_118 = tpu.memref_slice %arg17[%dma_start3A_116, %dma_start3A_117] : memref<1x2048xf32, #tpu.memory_space<vmem_shared>> -> memref<1x2048xf32, #tpu.memory_space<vmem_shared>>
      tpu.enqueue_indirect_dma source(%arg9 : memref<1x2048xf32, #tpu.memory_space<vmem>>) target(%dma_start3A_118 : memref<1x2048xf32, #tpu.memory_space<vmem_shared>>) offsets(%arg12 : memref<1xi32, #tpu.memory_space<vmem>>) semaphore(%run_scoped3A_115 : memref<!tpu.dma_semaphore, #tpu.memory_space<semaphore_mem>>) {add = true}
      %dma_wait3A_119 = arith.constant 0 : i32
      %dma_wait3A_120 = arith.constant 0 : i32
      %dma_wait3A_121 = tpu.memref_slice %arg17[%dma_wait3A_119, %dma_wait3A_120] : memref<1x2048xf32, #tpu.memory_space<vmem_shared>> -> memref<1x2048xf32, #tpu.memory_space<vmem_shared>>
      tpu.wait_indirect_dma semaphore(%run_scoped3A_115 : memref<!tpu.dma_semaphore, #tpu.memory_space<semaphore_mem>>) src(%arg9 : memref<1x2048xf32, #tpu.memory_space<vmem>>) dst(%dma_wait3A_121 : memref<1x2048xf32, #tpu.memory_space<vmem_shared>>)
      tpu.yield
    }) : () -> ()
    "tpu.region"() ({
      %run_scoped3A_115 = tpu.sem_alloc : memref<!tpu.dma_semaphore, #tpu.memory_space<semaphore_mem>>
      %dma_start3A_116 = arith.constant 0 : i32
      %dma_start3A_117 = arith.constant 0 : i32
      %dma_start3A_118 = tpu.memref_slice %arg18[%dma_start3A_116, %dma_start3A_117] : memref<1x16xf32, #tpu.memory_space<vmem_shared>> -> memref<1x16xf32, #tpu.memory_space<vmem_shared>>
      tpu.enqueue_indirect_dma source(%arg10 : memref<1x16xf32, #tpu.memory_space<vmem>>) target(%dma_start3A_118 : memref<1x16xf32, #tpu.memory_space<vmem_shared>>) offsets(%arg12 : memref<1xi32, #tpu.memory_space<vmem>>) semaphore(%run_scoped3A_115 : memref<!tpu.dma_semaphore, #tpu.memory_space<semaphore_mem>>) {add = true}
      %dma_wait3A_119 = arith.constant 0 : i32
      %dma_wait3A_120 = arith.constant 0 : i32
      %dma_wait3A_121 = tpu.memref_slice %arg18[%dma_wait3A_119, %dma_wait3A_120] : memref<1x16xf32, #tpu.memory_space<vmem_shared>> -> memref<1x16xf32, #tpu.memory_space<vmem_shared>>
      tpu.wait_indirect_dma semaphore(%run_scoped3A_115 : memref<!tpu.dma_semaphore, #tpu.memory_space<semaphore_mem>>) src(%arg10 : memref<1x16xf32, #tpu.memory_space<vmem>>) dst(%dma_wait3A_121 : memref<1x16xf32, #tpu.memory_space<vmem_shared>>)
      tpu.yield
    }) : () -> ()
    %barrier3A_77 = arith.constant 0 : index
    tpu.barrier barrier_id(%barrier3A_77)
    %run_scoped3A_78 = arith.constant 0 : i32
    %run_scoped3A_79 = arith.constant 0 : i32
    "tpu.region"() ({
      %run_scoped3A_115 = tpu.sem_alloc : memref<!tpu.dma_semaphore, #tpu.memory_space<semaphore_mem>>
      %dma_start3A_116 = arith.constant 0 : i32
      %dma_start3A_117 = tpu.memref_slice %arg8[%run_scoped3A_79, %dma_start3A_116] : memref<1x2048xi32, #tpu.memory_space<vmem>> -> memref<1x2048xi32, #tpu.memory_space<vmem>>
      %dma_start3A_118 = tpu.memref_squeeze %dma_start3A_117 : memref<1x2048xi32, #tpu.memory_space<vmem>> -> memref<2048xi32, #tpu.memory_space<vmem>>
      %dma_start3A_119 = arith.constant 0 : i32
      %dma_start3A_120 = tpu.memref_slice %arg16[%run_scoped3A_78, %dma_start3A_119] : memref<1x2048xi32, #tpu.memory_space<vmem_shared>> -> memref<1x2048xi32, #tpu.memory_space<vmem_shared>>
      %dma_start3A_121 = tpu.memref_squeeze %dma_start3A_120 : memref<1x2048xi32, #tpu.memory_space<vmem_shared>> -> memref<2048xi32, #tpu.memory_space<vmem_shared>>
      %dma_start3A_122 = arith.constant 0 : i32
      %dma_start3A_123 = tpu.memref_slice %arg8[%run_scoped3A_79, %dma_start3A_122] : memref<1x2048xi32, #tpu.memory_space<vmem>> -> memref<1x2048xi32, #tpu.memory_space<vmem>>
      %dma_start3A_124 = tpu.memref_squeeze %dma_start3A_123 : memref<1x2048xi32, #tpu.memory_space<vmem>> -> memref<2048xi32, #tpu.memory_space<vmem>>
      %dma_start3A_125 = arith.constant 0 : i32
      %dma_start3A_126 = tpu.memref_slice %arg16[%run_scoped3A_78, %dma_start3A_125] : memref<1x2048xi32, #tpu.memory_space<vmem_shared>> -> memref<1x2048xi32, #tpu.memory_space<vmem_shared>>
      %dma_start3A_127 = tpu.memref_squeeze %dma_start3A_126 : memref<1x2048xi32, #tpu.memory_space<vmem_shared>> -> memref<2048xi32, #tpu.memory_space<vmem_shared>>
      tpu.enqueue_dma source(%dma_start3A_127 : memref<2048xi32, #tpu.memory_space<vmem_shared>>) target(%dma_start3A_124 : memref<2048xi32, #tpu.memory_space<vmem>>) target_semaphore(%run_scoped3A_115 : memref<!tpu.dma_semaphore, #tpu.memory_space<semaphore_mem>>)
      %dma_wait3A_128 = arith.constant 0 : i32
      %dma_wait3A_129 = tpu.memref_slice %arg8[%run_scoped3A_79, %dma_wait3A_128] : memref<1x2048xi32, #tpu.memory_space<vmem>> -> memref<1x2048xi32, #tpu.memory_space<vmem>>
      %dma_wait3A_130 = tpu.memref_squeeze %dma_wait3A_129 : memref<1x2048xi32, #tpu.memory_space<vmem>> -> memref<2048xi32, #tpu.memory_space<vmem>>
      %dma_wait3A_131 = arith.constant 0 : i32
      %dma_wait3A_132 = tpu.memref_slice %arg16[%run_scoped3A_78, %dma_wait3A_131] : memref<1x2048xi32, #tpu.memory_space<vmem_shared>> -> memref<1x2048xi32, #tpu.memory_space<vmem_shared>>
      %dma_wait3A_133 = tpu.memref_squeeze %dma_wait3A_132 : memref<1x2048xi32, #tpu.memory_space<vmem_shared>> -> memref<2048xi32, #tpu.memory_space<vmem_shared>>
      %dma_wait3A_134 = arith.constant 0 : i32
      %dma_wait3A_135 = tpu.memref_slice %arg8[%run_scoped3A_79, %dma_wait3A_134] : memref<1x2048xi32, #tpu.memory_space<vmem>> -> memref<1x2048xi32, #tpu.memory_space<vmem>>
      %dma_wait3A_136 = tpu.memref_squeeze %dma_wait3A_135 : memref<1x2048xi32, #tpu.memory_space<vmem>> -> memref<2048xi32, #tpu.memory_space<vmem>>
      %dma_wait3A_137 = arith.constant 0 : i32
      %dma_wait3A_138 = tpu.memref_slice %arg16[%run_scoped3A_78, %dma_wait3A_137] : memref<1x2048xi32, #tpu.memory_space<vmem_shared>> -> memref<1x2048xi32, #tpu.memory_space<vmem_shared>>
      %dma_wait3A_139 = tpu.memref_squeeze %dma_wait3A_138 : memref<1x2048xi32, #tpu.memory_space<vmem_shared>> -> memref<2048xi32, #tpu.memory_space<vmem_shared>>
      tpu.wait_dma2 semaphore(%run_scoped3A_115 : memref<!tpu.dma_semaphore, #tpu.memory_space<semaphore_mem>>) src(%dma_wait3A_139 : memref<2048xi32, #tpu.memory_space<vmem_shared>>) dst(%dma_wait3A_136 : memref<2048xi32, #tpu.memory_space<vmem>>)
      tpu.yield
    }) : () -> ()
    %run_scoped3A_80 = arith.constant 0 : i32
    %run_scoped3A_81 = arith.constant 0 : i32
    "tpu.region"() ({
      %run_scoped3A_115 = tpu.sem_alloc : memref<!tpu.dma_semaphore, #tpu.memory_space<semaphore_mem>>
      %dma_start3A_116 = arith.constant 0 : i32
      %dma_start3A_117 = tpu.memref_slice %arg9[%run_scoped3A_81, %dma_start3A_116] : memref<1x2048xf32, #tpu.memory_space<vmem>> -> memref<1x2048xf32, #tpu.memory_space<vmem>>
      %dma_start3A_118 = tpu.memref_squeeze %dma_start3A_117 : memref<1x2048xf32, #tpu.memory_space<vmem>> -> memref<2048xf32, #tpu.memory_space<vmem>>
      %dma_start3A_119 = arith.constant 0 : i32
      %dma_start3A_120 = tpu.memref_slice %arg17[%run_scoped3A_80, %dma_start3A_119] : memref<1x2048xf32, #tpu.memory_space<vmem_shared>> -> memref<1x2048xf32, #tpu.memory_space<vmem_shared>>
      %dma_start3A_121 = tpu.memref_squeeze %dma_start3A_120 : memref<1x2048xf32, #tpu.memory_space<vmem_shared>> -> memref<2048xf32, #tpu.memory_space<vmem_shared>>
      %dma_start3A_122 = arith.constant 0 : i32
      %dma_start3A_123 = tpu.memref_slice %arg9[%run_scoped3A_81, %dma_start3A_122] : memref<1x2048xf32, #tpu.memory_space<vmem>> -> memref<1x2048xf32, #tpu.memory_space<vmem>>
      %dma_start3A_124 = tpu.memref_squeeze %dma_start3A_123 : memref<1x2048xf32, #tpu.memory_space<vmem>> -> memref<2048xf32, #tpu.memory_space<vmem>>
      %dma_start3A_125 = arith.constant 0 : i32
      %dma_start3A_126 = tpu.memref_slice %arg17[%run_scoped3A_80, %dma_start3A_125] : memref<1x2048xf32, #tpu.memory_space<vmem_shared>> -> memref<1x2048xf32, #tpu.memory_space<vmem_shared>>
      %dma_start3A_127 = tpu.memref_squeeze %dma_start3A_126 : memref<1x2048xf32, #tpu.memory_space<vmem_shared>> -> memref<2048xf32, #tpu.memory_space<vmem_shared>>
      tpu.enqueue_dma source(%dma_start3A_127 : memref<2048xf32, #tpu.memory_space<vmem_shared>>) target(%dma_start3A_124 : memref<2048xf32, #tpu.memory_space<vmem>>) target_semaphore(%run_scoped3A_115 : memref<!tpu.dma_semaphore, #tpu.memory_space<semaphore_mem>>)
      %dma_wait3A_128 = arith.constant 0 : i32
      %dma_wait3A_129 = tpu.memref_slice %arg9[%run_scoped3A_81, %dma_wait3A_128] : memref<1x2048xf32, #tpu.memory_space<vmem>> -> memref<1x2048xf32, #tpu.memory_space<vmem>>
      %dma_wait3A_130 = tpu.memref_squeeze %dma_wait3A_129 : memref<1x2048xf32, #tpu.memory_space<vmem>> -> memref<2048xf32, #tpu.memory_space<vmem>>
      %dma_wait3A_131 = arith.constant 0 : i32
      %dma_wait3A_132 = tpu.memref_slice %arg17[%run_scoped3A_80, %dma_wait3A_131] : memref<1x2048xf32, #tpu.memory_space<vmem_shared>> -> memref<1x2048xf32, #tpu.memory_space<vmem_shared>>
      %dma_wait3A_133 = tpu.memref_squeeze %dma_wait3A_132 : memref<1x2048xf32, #tpu.memory_space<vmem_shared>> -> memref<2048xf32, #tpu.memory_space<vmem_shared>>
      %dma_wait3A_134 = arith.constant 0 : i32
      %dma_wait3A_135 = tpu.memref_slice %arg9[%run_scoped3A_81, %dma_wait3A_134] : memref<1x2048xf32, #tpu.memory_space<vmem>> -> memref<1x2048xf32, #tpu.memory_space<vmem>>
      %dma_wait3A_136 = tpu.memref_squeeze %dma_wait3A_135 : memref<1x2048xf32, #tpu.memory_space<vmem>> -> memref<2048xf32, #tpu.memory_space<vmem>>
      %dma_wait3A_137 = arith.constant 0 : i32
      %dma_wait3A_138 = tpu.memref_slice %arg17[%run_scoped3A_80, %dma_wait3A_137] : memref<1x2048xf32, #tpu.memory_space<vmem_shared>> -> memref<1x2048xf32, #tpu.memory_space<vmem_shared>>
      %dma_wait3A_139 = tpu.memref_squeeze %dma_wait3A_138 : memref<1x2048xf32, #tpu.memory_space<vmem_shared>> -> memref<2048xf32, #tpu.memory_space<vmem_shared>>
      tpu.wait_dma2 semaphore(%run_scoped3A_115 : memref<!tpu.dma_semaphore, #tpu.memory_space<semaphore_mem>>) src(%dma_wait3A_139 : memref<2048xf32, #tpu.memory_space<vmem_shared>>) dst(%dma_wait3A_136 : memref<2048xf32, #tpu.memory_space<vmem>>)
      tpu.yield
    }) : () -> ()
    %sub3A = arith.constant 471860 : i32
    %sub3A_82 = arith.subi %sub3A, %reduce_max3A_61 : i32
    %broadcast_in_dim3A_83 = arith.constant 0 : i32
    %broadcast_in_dim3A_84 = vector.broadcast %broadcast_in_dim3A_83 : i32 to vector<16xi32>
    %broadcast_in_dim3A_85 = arith.constant 0.000000e+00 : f32
    %broadcast_in_dim3A_86 = vector.broadcast %broadcast_in_dim3A_85 : f32 to vector<16xf32>
    %scan3A_87 = arith.constant 0 : i32
    %scan3A_88 = arith.constant 0 : i32
    %scan3A_89 = arith.constant 64 : i32
    %scan3A_90 = arith.addi %scan3A_88, %scan3A_89 : i32
    %scan3A_91 = arith.constant 1 : i32
    %scan3A_92:4 = scf.for %scan3A_115 = %scan3A_88 to %scan3A_90 step %scan3A_91 iter_args(%scan3A_116 = %scan3A_87, %scan3A_117 = %broadcast_in_dim3A_84, %scan3A_118 = %broadcast_in_dim3A_84, %scan3A_119 = %broadcast_in_dim3A_86) -> (i32, vector<16xi32>, vector<16xi32>, vector<16xf32>)  : i32 {
      %mul3A_120 = arith.constant 2 : i32
      %mul3A_121 = arith.muli %mul3A_120, %scan3A_115 : i32
      %mul3A_122 = arith.constant 16 : i32
      %mul3A_123 = arith.muli %mul3A_121, %mul3A_122 : i32
      %get3A = arith.constant 0 : i32
      %get3A_124 = arith.index_cast %get3A : i32 to index
      %get3A_125 = arith.index_cast %mul3A_123 : i32 to index
      %get3A_126 = tpu.vector_load %arg8[%get3A_124, %get3A_125] {strides = array<i32>} : memref<1x2048xi32, #tpu.memory_space<vmem>>, vector<16xi32>,
      %broadcast_in_dim3A_127 = arith.constant true
      %broadcast_in_dim3A_128 = vector.broadcast %broadcast_in_dim3A_127 : i1 to vector<16xi1>
      %masked_cumsum3A = tpu.scan <sum>, %get3A_126 masked %broadcast_in_dim3A_128 : vector<16xi32>, vector<16xi1> -> vector<16xi32>
      %mul3A_129 = arith.constant 2 : i32
      %mul3A_130 = arith.muli %mul3A_129, %scan3A_115 : i32
      %add3A = arith.constant 1 : i32
      %add3A_131 = arith.addi %mul3A_130, %add3A : i32
      %mul3A_132 = arith.constant 16 : i32
      %mul3A_133 = arith.muli %add3A_131, %mul3A_132 : i32
      %get3A_134 = arith.constant 0 : i32
      %get3A_135 = arith.index_cast %get3A_134 : i32 to index
      %get3A_136 = arith.index_cast %mul3A_133 : i32 to index
      %get3A_137 = tpu.vector_load %arg8[%get3A_135, %get3A_136] {strides = array<i32>} : memref<1x2048xi32, #tpu.memory_space<vmem>>, vector<16xi32>,
      %broadcast_in_dim3A_138 = arith.constant true
      %broadcast_in_dim3A_139 = vector.broadcast %broadcast_in_dim3A_138 : i1 to vector<16xi1>
      %masked_cumsum3A_140 = tpu.scan <sum>, %get3A_137 masked %broadcast_in_dim3A_139 : vector<16xi32>, vector<16xi1> -> vector<16xi32>
      %add3A_141 = vector.broadcast %scan3A_116 : i32 to vector<16xi32>
      %add3A_142 = arith.addi %masked_cumsum3A, %add3A_141 : vector<16xi32>
      %reduce_max3A_143 = arith.constant true
      %reduce_max3A_144 = vector.broadcast %reduce_max3A_143 : i1 to vector<16xi1>
      %reduce_max3A_145 = arith.constant -2147483648 : i32
      %reduce_max3A_146 = vector.broadcast %reduce_max3A_145 : i32 to vector<16xi32>
      %reduce_max3A_147 = arith.xori %add3A_142, %reduce_max3A_146 : vector<16xi32>
      %reduce_max3A_148 = tpu.scan <max>, %reduce_max3A_147 masked %reduce_max3A_144 : vector<16xi32>, vector<16xi1> -> vector<16xi32>
      %reduce_max3A_149 = arith.xori %reduce_max3A_148, %reduce_max3A_146 : vector<16xi32>
      %reduce_max3A_150 = vector.extract %reduce_max3A_149[15] : i32 from vector<16xi32>
      %add3A_151 = vector.broadcast %reduce_max3A_150 : i32 to vector<16xi32>
      %add3A_152 = arith.addi %masked_cumsum3A_140, %add3A_151 : vector<16xi32>
      %reduce_max3A_153 = arith.constant true
      %reduce_max3A_154 = vector.broadcast %reduce_max3A_153 : i1 to vector<16xi1>
      %reduce_max3A_155 = arith.constant -2147483648 : i32
      %reduce_max3A_156 = vector.broadcast %reduce_max3A_155 : i32 to vector<16xi32>
      %reduce_max3A_157 = arith.xori %add3A_152, %reduce_max3A_156 : vector<16xi32>
      %reduce_max3A_158 = tpu.scan <max>, %reduce_max3A_157 masked %reduce_max3A_154 : vector<16xi32>, vector<16xi1> -> vector<16xi32>
      %reduce_max3A_159 = arith.xori %reduce_max3A_158, %reduce_max3A_156 : vector<16xi32>
      %reduce_max3A_160 = vector.extract %reduce_max3A_159[15] : i32 from vector<16xi32>
      %lt3A = vector.broadcast %sub3A_82 : i32 to vector<16xi32>
      %lt3A_161 = arith.cmpi slt, %add3A_142, %lt3A : vector<16xi32>
      %lt3A_162 = vector.broadcast %sub3A_82 : i32 to vector<16xi32>
      %lt3A_163 = arith.cmpi slt, %add3A_152, %lt3A_162 : vector<16xi32>
      %convert_element_type3A_164 = arith.extui %lt3A_161 : vector<16xi1> to vector<16xi32>
      %add3A_165 = arith.addi %scan3A_117, %convert_element_type3A_164 : vector<16xi32>
      %convert_element_type3A_166 = arith.extui %lt3A_163 : vector<16xi1> to vector<16xi32>
      %add3A_167 = arith.addi %add3A_165, %convert_element_type3A_166 : vector<16xi32>
      %jit3A = arith.constant 0 : i32
      %broadcast_in_dim3A_168 = vector.broadcast %jit3A : i32 to vector<16xi32>
      %select_n3A = arith.select %lt3A_161, %add3A_142, %broadcast_in_dim3A_168 : vector<16xi1>, vector<16xi32>
      %max3A = arith.maxsi %scan3A_118, %select_n3A : vector<16xi32>
      %jit3A_169 = arith.constant 0 : i32
      %broadcast_in_dim3A_170 = vector.broadcast %jit3A_169 : i32 to vector<16xi32>
      %select_n3A_171 = arith.select %lt3A_163, %add3A_152, %broadcast_in_dim3A_170 : vector<16xi1>, vector<16xi32>
      %max3A_172 = arith.maxsi %max3A, %select_n3A_171 : vector<16xi32>
      %mul3A_173 = arith.constant 2 : i32
      %mul3A_174 = arith.muli %mul3A_173, %scan3A_115 : i32
      %mul3A_175 = arith.constant 16 : i32
      %mul3A_176 = arith.muli %mul3A_174, %mul3A_175 : i32
      %get3A_177 = arith.constant 0 : i32
      %get3A_178 = arith.index_cast %get3A_177 : i32 to index
      %get3A_179 = arith.index_cast %mul3A_176 : i32 to index
      %get3A_180 = tpu.vector_load %arg9[%get3A_178, %get3A_179] {strides = array<i32>} : memref<1x2048xf32, #tpu.memory_space<vmem>>, vector<16xf32>,
      %jit3A_181 = arith.constant 0.000000e+00 : f32
      %broadcast_in_dim3A_182 = vector.broadcast %jit3A_181 : f32 to vector<16xf32>
      %select_n3A_183 = arith.select %lt3A_161, %get3A_180, %broadcast_in_dim3A_182 : vector<16xi1>, vector<16xf32>
      %add3A_184 = arith.addf %scan3A_119, %select_n3A_183 : vector<16xf32>
      %mul3A_185 = arith.constant 2 : i32
      %mul3A_186 = arith.muli %mul3A_185, %scan3A_115 : i32
      %add3A_187 = arith.constant 1 : i32
      %add3A_188 = arith.addi %mul3A_186, %add3A_187 : i32
      %mul3A_189 = arith.constant 16 : i32
      %mul3A_190 = arith.muli %add3A_188, %mul3A_189 : i32
      %get3A_191 = arith.constant 0 : i32
      %get3A_192 = arith.index_cast %get3A_191 : i32 to index
      %get3A_193 = arith.index_cast %mul3A_190 : i32 to index
      %get3A_194 = tpu.vector_load %arg9[%get3A_192, %get3A_193] {strides = array<i32>} : memref<1x2048xf32, #tpu.memory_space<vmem>>, vector<16xf32>,
      %jit3A_195 = arith.constant 0.000000e+00 : f32
      %broadcast_in_dim3A_196 = vector.broadcast %jit3A_195 : f32 to vector<16xf32>
      %select_n3A_197 = arith.select %lt3A_163, %get3A_194, %broadcast_in_dim3A_196 : vector<16xi1>, vector<16xf32>
      %add3A_198 = arith.addf %add3A_184, %select_n3A_197 : vector<16xf32>
      scf.yield %reduce_max3A_160, %add3A_167, %max3A_172, %add3A_198 : i32, vector<16xi32>, vector<16xi32>, vector<16xf32>
    }
    %scan3A_93 = arith.constant 64 : i32
    %reduce_sum3A_94 = arith.constant true
    %reduce_sum3A_95 = vector.broadcast %reduce_sum3A_94 : i1 to vector<16xi1>
    %reduce_sum3A_96 = tpu.scan <sum>, %scan3A_92#1 masked %reduce_sum3A_95 : vector<16xi32>, vector<16xi1> -> vector<16xi32>
    %reduce_sum3A_97 = vector.extract %reduce_sum3A_96[15] : i32 from vector<16xi32>
    %reduce_max3A_98 = arith.constant true
    %reduce_max3A_99 = vector.broadcast %reduce_max3A_98 : i1 to vector<16xi1>
    %reduce_max3A_100 = arith.constant -2147483648 : i32
    %reduce_max3A_101 = vector.broadcast %reduce_max3A_100 : i32 to vector<16xi32>
    %reduce_max3A_102 = arith.xori %scan3A_92#2, %reduce_max3A_101 : vector<16xi32>
    %reduce_max3A_103 = tpu.scan <max>, %reduce_max3A_102 masked %reduce_max3A_99 : vector<16xi32>, vector<16xi1> -> vector<16xi32>
    %reduce_max3A_104 = arith.xori %reduce_max3A_103, %reduce_max3A_101 : vector<16xi32>
    %reduce_max3A_105 = vector.extract %reduce_max3A_104[15] : i32 from vector<16xi32>
    %reduce_sum3A_106 = arith.constant true
    %reduce_sum3A_107 = vector.broadcast %reduce_sum3A_106 : i1 to vector<16xi1>
    %reduce_sum3A_108 = tpu.scan <sum>, %scan3A_92#3 masked %reduce_sum3A_107 : vector<16xf32>, vector<16xi1> -> vector<16xf32>
    %reduce_sum3A_109 = vector.extract %reduce_sum3A_108[15] : f32 from vector<16xf32>
    %eq3A_110 = arith.constant 0 : i32
    %eq3A_111 = arith.cmpi eq, %arg1, %eq3A_110 : i32
    %convert_element_type3A_112 = arith.extui %eq3A_111 : i1 to i32
    %cond3A_113 = arith.constant 0 : i32
    %cond3A_114 = arith.cmpi ne, %convert_element_type3A_112, %cond3A_113 : i32
    scf.if %cond3A_114 {
      %run_scoped3A_115 = arith.constant 0 : i32
      "tpu.region"() ({
        %run_scoped3A_138 = tpu.sem_alloc : memref<!tpu.dma_semaphore, #tpu.memory_space<semaphore_mem>>
        %dma_start3A_139 = arith.constant 0 : i32
        %dma_start3A_140 = tpu.memref_slice %arg18[%run_scoped3A_115, %dma_start3A_139] : memref<1x16xf32, #tpu.memory_space<vmem_shared>> -> memref<1x16xf32, #tpu.memory_space<vmem_shared>>
        %dma_start3A_141 = tpu.memref_squeeze %dma_start3A_140 : memref<1x16xf32, #tpu.memory_space<vmem_shared>> -> memref<16xf32, #tpu.memory_space<vmem_shared>>
        %dma_start3A_142 = arith.constant 0 : i32
        %dma_start3A_143 = tpu.memref_slice %arg18[%run_scoped3A_115, %dma_start3A_142] : memref<1x16xf32, #tpu.memory_space<vmem_shared>> -> memref<1x16xf32, #tpu.memory_space<vmem_shared>>
        %dma_start3A_144 = tpu.memref_squeeze %dma_start3A_143 : memref<1x16xf32, #tpu.memory_space<vmem_shared>> -> memref<16xf32, #tpu.memory_space<vmem_shared>>
        tpu.enqueue_dma source(%dma_start3A_144 : memref<16xf32, #tpu.memory_space<vmem_shared>>) target(%arg11 : memref<16xf32, #tpu.memory_space<vmem>>) target_semaphore(%run_scoped3A_138 : memref<!tpu.dma_semaphore, #tpu.memory_space<semaphore_mem>>)
        %dma_wait3A_145 = arith.constant 0 : i32
        %dma_wait3A_146 = tpu.memref_slice %arg18[%run_scoped3A_115, %dma_wait3A_145] : memref<1x16xf32, #tpu.memory_space<vmem_shared>> -> memref<1x16xf32, #tpu.memory_space<vmem_shared>>
        %dma_wait3A_147 = tpu.memref_squeeze %dma_wait3A_146 : memref<1x16xf32, #tpu.memory_space<vmem_shared>> -> memref<16xf32, #tpu.memory_space<vmem_shared>>
        %dma_wait3A_148 = arith.constant 0 : i32
        %dma_wait3A_149 = tpu.memref_slice %arg18[%run_scoped3A_115, %dma_wait3A_148] : memref<1x16xf32, #tpu.memory_space<vmem_shared>> -> memref<1x16xf32, #tpu.memory_space<vmem_shared>>
        %dma_wait3A_150 = tpu.memref_squeeze %dma_wait3A_149 : memref<1x16xf32, #tpu.memory_space<vmem_shared>> -> memref<16xf32, #tpu.memory_space<vmem_shared>>
        tpu.wait_dma2 semaphore(%run_scoped3A_138 : memref<!tpu.dma_semaphore, #tpu.memory_space<semaphore_mem>>) src(%dma_wait3A_150 : memref<16xf32, #tpu.memory_space<vmem_shared>>) dst(%arg11 : memref<16xf32, #tpu.memory_space<vmem>>)
        tpu.yield
      }) : () -> ()
      %get3A = arith.constant 0 : index
      %get3A_116 = tpu.vector_load %arg11[%get3A] {strides = array<i32>} : memref<16xf32, #tpu.memory_space<vmem>>, vector<16xf32>,
      %reduce_sum3A_117 = arith.constant true
      %reduce_sum3A_118 = vector.broadcast %reduce_sum3A_117 : i1 to vector<16xi1>
      %reduce_sum3A_119 = tpu.scan <sum>, %get3A_116 masked %reduce_sum3A_118 : vector<16xf32>, vector<16xi1> -> vector<16xf32>
      %reduce_sum3A_120 = vector.extract %reduce_sum3A_119[15] : f32 from vector<16xf32>
      %shift_left3A = arith.constant 21 : i32
      %shift_left3A_121 = arith.shli %reduce_sum3A_54, %shift_left3A : i32
      %shift_left3A_122 = arith.constant 10 : i32
      %shift_left3A_123 = arith.shli %reduce_sum3A_97, %shift_left3A_122 : i32
      %or3A = arith.ori %shift_left3A_121, %shift_left3A_123 : i32
      %bitcast_convert_type3A = arith.bitcast %or3A : i32 to f32
      %add3A = arith.addf %reduce_sum3A_120, %reduce_sum3A_109 : f32
      %sub3A_124 = arith.constant 471860 : i32
      %sub3A_125 = arith.subi %sub3A_124, %reduce_max3A_61 : i32
      %sub3A_126 = arith.subi %sub3A_125, %reduce_max3A_105 : i32
      %convert_element_type3A_127 = arith.sitofp %sub3A_126 : i32 to f32
      %mul3A_128 = arith.mulf %bitcast_convert_type3A, %convert_element_type3A_127 : f32
      %add3A_129 = arith.addf %add3A, %mul3A_128 : f32
      %mul3A_130 = arith.constant 2.11927272E-6 : f32
      %mul3A_131 = arith.mulf %add3A_129, %mul3A_130 : f32
      %broadcast_in_dim3A_132 = arith.constant 1.000000e+00 : f32
      %broadcast_in_dim3A_133 = vector.broadcast %broadcast_in_dim3A_132 : f32 to vector<16xf32>
      %mul3A_134 = vector.broadcast %mul3A_131 : f32 to vector<16xf32>
      %mul3A_135 = arith.mulf %broadcast_in_dim3A_133, %mul3A_134 : vector<16xf32>
      %swap3A_136 = arith.constant 0 : index
      %swap3A_137 = tpu.vector_load %arg11[%swap3A_136] {strides = array<i32>} : memref<16xf32, #tpu.memory_space<vmem>>, vector<16xf32>,
      tpu.vector_store %arg11[%swap3A_136], %mul3A_135 {strides = array<i32>} : memref<16xf32, #tpu.memory_space<vmem>>, vector<16xf32>,
      "tpu.region"() ({
        %run_scoped3A_138 = tpu.sem_alloc : memref<!tpu.dma_semaphore, #tpu.memory_space<semaphore_mem>>
        tpu.enqueue_dma source(%arg11 : memref<16xf32, #tpu.memory_space<vmem>>) target(%arg4 : memref<16xf32, #tpu.memory_space<hbm>>) target_semaphore(%run_scoped3A_138 : memref<!tpu.dma_semaphore, #tpu.memory_space<semaphore_mem>>)
        tpu.wait_dma2 semaphore(%run_scoped3A_138 : memref<!tpu.dma_semaphore, #tpu.memory_space<semaphore_mem>>) src(%arg11 : memref<16xf32, #tpu.memory_space<vmem>>) dst(%arg4 : memref<16xf32, #tpu.memory_space<hbm>>)
        tpu.yield
      }) : () -> ()
    } else {
    }
    return
  }
}

</mosaic_0001>

<sc_bundles>
// kernel: kernel.3.cloned.1.call-start
scs
__scs_entry_jumppad:
0x0: {  	(pc) =	sbr.rel $0x88, $3  }
0x1: {  	(tag) =	ssettag $0x0;
	lr =	simm.s32 $0x1  }
0x2: {  	[smem:$0x3F9F] =	sst lr;
	_ =	strace $0xD0000000  }
0x3: {  	_ = 	snop  }
0x4: {  	_ = 	snop  }
0x5: {  	_ = 	snop  }
0x6: {  	_ = 	snop  }
0x7: {  	_ = 	snop  }
__scs_overlays_trampoline_lowered:
0x8: {  	[smem:$0x3FAE] =	sst s0  }
0x9: {  	[smem:$0x3FAF] =	sst s1  }
0xa: {  	[smem:$0x3FB0] =	sst s2  }
0xb: {  	[smem:$0x3FB1] =	sst s3  }
0xc: {  	[smem:$0x3FB2] =	sst s4  }
0xd: {  	[smem:$0x3FB3] =	sst s5  }
0xe: {  	[smem:$0x3FB4] =	sst s6  }
0xf: {  	[smem:$0x3FB5] =	sst s7  }
0x10: {  	[smem:$0x3FB6] =	sst s8  }
0x11: {  	[smem:$0x3FB7] =	sst s9;
	s0 =	simm.s32 @!p0 $0x0  }
0x12: {  	s1 =	sld [smem:$0x3F9D];
	s0 =	simm.s32 @p0 $0x1  }
0x13: {  	[smem:$0x3FB8] =	sst s0;
	s0 =	simm.s32 @!p1 $0x0  }
0x14: {  	s2 =	sld [smem:$0x3F9C];
	s0 =	simm.s32 @p1 $0x1  }
0x15: {  	[smem:$0x3FB9] =	sst s0;
	s0 =	simm.s32 @!p2 $0x0  }
0x16: {  	s3 =	sld [smem:$0x3FDB];
	s0 =	simm.s32 @p2 $0x1  }
0x17: {  	s4 =	simm.s32 $0x1BF5;
	[smem:$0x3FBB] =	sst s0  }
0x18: {  	s0 =	sld [smem:$0x3F9E];
	_ =	swait.ge [sflag:s4], $0x0  }
0x19: {  	s7 =	sld [smem:$0x3F9F]  }
0x1a: {  	s8 =	sadd.s32 $0xFFFFE003, lr  }
0x1b: {  	s9 =	sadd.s32 $0xFFFFFEF7, lr;
	s5 =	simm.s32 $0xFFFFFFFF;
	p2 =	slt.u32 s8, $0xFFFFF086  }
0x1c: {  	p1 =	slt.u32 s9, $0xF7A;
	s5 =	simm.s32 @!p2 $0x0  }
0x1d: {  	s5 =	simm.s32 @p1 $0x1;
	p0 =	seq.s32 s7, s2  }
0x1e: {  	s7 =	smul.u32 @!p0 $0xF7A, s2;
	p2 =	seq.s32 @!p0 s5, $0x0  }
0x1f: {  	s9 =	smul.u32 $0xF7A, s1;
	s8 =	simm.s32 @!p0 $0x1BF5;
	p2 =	por !p2, p0  }
0x20: {  	[sflag:s8] =	ssyncset.s32 @!p0 $0xFFFFF086;
	s6 =	sadd.s32 @!p0 s3, s7;
	s7 =	simm.s32 @!p0 $0x108  }
0x21: {  	s3 =	sadd.s32 s3, s9;
	s6 =	sadd.s32 @!p0 $0x88, s6;
	s7 =	simm.s32 @p2 $0x1082  }
0x22: {  	[simem:s7], [sflag:s8] =	dma.local @!p0 [hbm:s6], $0xF7A  }
0x23: {  	s9 =	sor.u32 $0xD0000000, s2;
	s6 =	simm.s32 $0x108;
	_ =	swait.ge @!p0 [sflag:s8], $0x0  }
0x24: {  	s3 =	sadd.s32 $0x88, s3;
	s6 =	simm.s32 @!p1 $0x1082;
	[sflag:s4] =	ssyncset.s32 $0xFFFFF086  }
0x25: {  	[simem:s6], [sflag:s4] =	dma.local [hbm:s3], $0xF7A  }
0x26: {  	[smem:$0x3F9F] =	sst s1;
	(tag) =	ssettag s2;
	_ =	strace s9  }
0x27: {  	s1 =	sld [smem:$0x3FAF]  }
0x28: {  	s2 =	sld [smem:$0x3FB0]  }
0x29: {  	s4 =	sld [smem:$0x3FB2]  }
0x2a: {  	p0 =	seq.s32 s5, $0x0;
	s5 =	sld [smem:$0x3FB3]  }
0x2b: {  	s6 =	sld [smem:$0x3FB4]  }
0x2c: {  	s7 =	sld [smem:$0x3FB5]  }
0x2d: {  	s3 =	simm.s32 $0x108;
	s8 =	sld [smem:$0x3FB6]  }
0x2e: {  	s3 =	simm.s32 @!p0 $0x1082;
	s9 =	sld [smem:$0x3FB7]  }
0x2f: {  	lr =	sadd.s32 s0, s3;
	s0 =	sld [smem:$0x3FAE]  }
0x30: {  	s3 =	sld [smem:$0x3FB1]  }
0x31: {  	[smem:$0x3FBA] =	sst s10  }
0x32: {  	s10 =	sld [smem:$0x3FB8];
	_ =	sdelay $0x3  }
0x33: {  	p0 =	seq.s32 s10, $0x1;
	s10 =	sld [smem:$0x3FBA];
	_ =	sdelay $0x3  }
0x34: {  	[smem:$0x3FBA] =	sst s10  }
0x35: {  	s10 =	sld [smem:$0x3FB9];
	_ =	sdelay $0x3  }
0x36: {  	p1 =	seq.s32 s10, $0x1;
	s10 =	sld [smem:$0x3FBA];
	_ =	sdelay $0x3  }
0x37: {  	[smem:$0x3FBA] =	sst s10  }
0x38: {  	s10 =	sld [smem:$0x3FBB]  }
0x39: {  	_ = 	snop;
	(pc) =	sbr.ind lr, $3  }
0x3a: {  	_ = 	snop  }
0x3b: {  	_ = 	snop  }
0x3c: {  	p2 =	seq.s32 s10, $0x1;
	s10 =	sld [smem:$0x3FBA]  }
0x3d: {  	_ =	shalt  }
0x3e: {  	_ =	shalt  }
0x3f: {  	_ =	shalt  }
0x40: {  	_ =	shalt  }
0x41: {  	_ =	shalt  }
0x42: {  	_ =	shalt  }
0x43: {  	_ =	shalt  }
0x44: {  	_ =	shalt  }
0x45: {  	_ =	shalt  }
0x46: {  	_ =	shalt  }
0x47: {  	_ =	shalt  }
0x48: {  	_ =	shalt  }
0x49: {  	_ =	shalt  }
0x4a: {  	_ =	shalt  }
0x4b: {  	_ =	shalt  }
0x4c: {  	_ =	shalt  }
0x4d: {  	_ =	shalt  }
0x4e: {  	_ =	shalt  }
0x4f: {  	_ =	shalt  }
0x50: {  	_ =	shalt  }
0x51: {  	_ =	shalt  }
0x52: {  	_ =	shalt  }
0x53: {  	_ =	shalt  }
0x54: {  	_ =	shalt  }
0x55: {  	_ =	shalt  }
0x56: {  	_ =	shalt  }
0x57: {  	_ =	shalt  }
0x58: {  	_ =	shalt  }
0x59: {  	_ =	shalt  }
0x5a: {  	_ =	shalt  }
0x5b: {  	_ =	shalt  }
0x5c: {  	_ =	shalt  }
0x5d: {  	_ =	shalt  }
0x5e: {  	_ =	shalt  }
0x5f: {  	_ =	shalt  }
0x60: {  	_ =	shalt  }
0x61: {  	_ =	shalt  }
0x62: {  	_ =	shalt  }
0x63: {  	_ =	shalt  }
0x64: {  	_ =	shalt  }
0x65: {  	_ =	shalt  }
0x66: {  	_ =	shalt  }
0x67: {  	_ =	shalt  }
0x68: {  	_ =	shalt  }
0x69: {  	_ =	shalt  }
0x6a: {  	_ =	shalt  }
0x6b: {  	_ =	shalt  }
0x6c: {  	_ =	shalt  }
0x6d: {  	_ =	shalt  }
0x6e: {  	_ =	shalt  }
0x6f: {  	_ =	shalt  }
0x70: {  	_ =	shalt  }
0x71: {  	_ =	shalt  }
0x72: {  	_ =	shalt  }
0x73: {  	_ =	shalt  }
0x74: {  	_ =	shalt  }
0x75: {  	_ =	shalt  }
0x76: {  	_ =	shalt  }
0x77: {  	_ =	shalt  }
0x78: {  	_ =	shalt  }
0x79: {  	_ =	shalt  }
0x7a: {  	_ =	shalt  }
0x7b: {  	_ =	shalt  }
0x7c: {  	_ =	shalt  }
0x7d: {  	_ =	shalt  }
0x7e: {  	_ =	shalt  }
0x7f: {  	_ =	shalt  }
0x80: {  	_ =	shalt  }
0x81: {  	_ =	shalt  }
0x82: {  	_ =	shalt  }
0x83: {  	_ =	shalt  }
0x84: {  	_ =	shalt  }
0x85: {  	_ =	shalt  }
0x86: {  	_ =	shalt  }
0x87: {  	_ =	shalt  }
.Lfunc_end0:
.L_simem_size_0:
called_computation_lowered:
.L_overlay_start_0:
0x88: {  	s0 =	sld [smem:$0x3FD9]  }
0x89: {  	s1 =	sld [smem:$0x3FFE];
	_ =	sdelay $0x3  }
0x8a: {  	s0 =	sadd.s32 s1, s0  }
0x8b: {  	[smem:$0x3FC6] =	sst s0  }
0x8c: {  	_ = 	snop  }
0x8d: {  	s0 =	sld [smem:$0x3FD0];
	(tm) =	ssettm $0x1  }
0x8e: {  	s16 =	sld [smem:$0x3FFB];
	_ =	sdelay $0x3  }
0x8f: {  	_ =	strace s16  }
0x90: {  	s1 =	sld [smem:$0x3FFC];
	_ =	sdelay $0x3  }
0x91: {  	_ =	strace s1  }
0x92: {  	s1 =	sld [smem:$0x3FFD];
	_ =	sdelay $0x3  }
0x93: {  	_ =	strace s1  }
0x94: {  	_ =	strace $0x8FFFFFFF  }
0x95: {  	s17 =	sld [smem:$0x3FDB];
	_ =	sdelay $0x1  }
0x96: {  	s2 =	simm.s32 $_scs_section_size  }
0x97: {  	s3 =	simm.s32 $_size__tile_overlayer_lowered;
	s4 =	simm.s32 $_tile_overlayer_lowered  }
0x98: {  	s20 =	simm.s32 $0x1BFF;
	s19 =	sshll.u32 s4, $0x1;
	s1 =	sadd.s32 s2, s17  }
0x99: {  	s5 =	simm.s32 $0x0;
	s18 =	sshll.u32 s3, $0x1;
	s3 =	sadd.s32 s19, s1  }
0x9a: {  	[timem:s5], [sflag:s20] =	dma.local [hbm:s3], s18  }
0x9b: {  	_ =	swait.ge [sflag:s20], s18  }
0x9c: {  	s2 =	ssub.s32 $0x0, s18;
	[sflag:s20] =	ssyncset.done $0x0  }
0x9d: {  	[sflag:s20] =	ssyncadd.s32 s2;
	_ =	sdelay $0x1  }
0x9e: {  	s21 =	simm.s32 $0x1B8B  }
0x9f: {  	_ =	swait.ge [sflag:s21], $0x1  }
0xa0: {  	[sflag:s21] =	ssyncset.done $0x0  }
0xa1: {  	s23 =	simm.s32 $0x1B8E;
	s22 =	sld [smem:$0x3FFE];
	[sflag:s21] =	ssyncadd.s32 $0xFFFFFFFF  }
0xa2: {  	s24 =	simm.s32 $execute0_lowered;
	[smem:$0x3FD2] =	sst s23  }
0xa3: {  	s3 =	sshll.u32 s24, $0x1;
	_ =	strace $0x80000046;
	[dreg:$0x1] =	wrdreg $0xFFFFFFFF  }
0xa4: {  	s25 =	simm.s32 $_size_execute0_lowered;
	s1 =	sadd.s32 s1, s3;
	[dreg:$0x0] =	wrdreg $0x0  }
0xa5: {  	s3 =	sshll.u32 s25, $0x1;
	[dreg:$0x2] =	wrdreg s1  }
0xa6: {  	[dreg:$0x3] =	wrdreg s3  }
0xa7: {  	[dreg:$0x4] =	wrdreg $0xC0  }
0xa8: {  	_ =	task [dreg:s5], $0x5FFFF  }
0xa9: {  	[dreg:$0x1] =	wrdreg $0xFFFFFFFF  }
0xaa: {  	[dreg:$0x0] =	wrdreg $0x60  }
0xab: {  	[dreg:$0x2] =	wrdreg s22  }
0xac: {  	[dreg:$0x3] =	wrdreg s0  }
0xad: {  	[dreg:$0x4] =	wrdreg $0x115800  }
0xae: {  	[dreg:$0x5] =	wrdreg $0x115C00  }
0xaf: {  	[dreg:$0x6] =	wrdreg $0x116400  }
0xb0: {  	[dreg:$0x7] =	wrdreg $0x116C00  }
0xb1: {  	[dreg:$0x8] =	wrdreg $0x9  }
0xb2: {  	_ =	task.clear_ibuf [dreg:s5], $0x9FFFF;
	_ =	strace $0x90000046  }
0xb3: {  	s26 =	simm.s32 $0x9;
	_ =	strace $0x80000048  }
0xb4: {  	_ =	swait.ge [sflag:s26], $0x1  }
0xb5: {  	[sflag:s26] =	ssyncadd.s32 $0xFFFFFFFF  }
0xb6: {  	_ =	strace $0x90000048  }
0xb7: {  	_ =	sfence  }
0xb8: {  	s28 =	sld [smem:$0x0];
	_ =	sdelay $0x1  }
0xb9: {  	s29 =	srdreg.scid  }
0xba: {  	s30 =	sshll.u32 s29, $0xD;
	s31 =	sshrl.u32 s29, $0x2  }
0xbb: {  	s2 =	sand.u32 $0x4000, s30;
	s1 =	sand.u32 $0x1, s29;
	s0 =	sadd.s32 s31, s28  }
0xbc: {  	s1 =	sor.u32 s2, s1;
	s0 =	sshll.u32 s0, $0x11  }
0xbd: {  	s0 =	sor.u32 s0, s1  }
0xbe: {  	s0 =	sadd.s32 $0x8F2B, s0  }
0xbf: {  	[sflag:s0] =	ssyncadd.remote.s32 $0x1  }
0xc0: {  	_ =	sfence.sel $0xFFFF  }
0xc1: {  	[dreg:$0x0] =	wrdreg $0xFFFFFFFF;
	(pc) =	sbr.abs _section_cstart, $3  }
0xc2: {  	[dreg:$0x1] =	wrdreg $0xFFFFFFFF  }
0xc3: {  	_ =	task.clear_ibuf [dreg:s5], $0x2FFFF;
	_ =	strace $0x9FFFFFFF  }
0xc4: {  	(tm) =	ssettm $0x7FFFFFFF  }
0xc5: {  	_ =	shalt  }
tec
execute0_lowered:
.L_overlay_start_1:
0x0: {  	(tag) =	ssettag $0x1  }
0x1: {  	s7 =	rddreg [dreg:$0x0]  }
0x2: {  	s1 =	rddreg [dreg:$0x1]  }
0x3: {  	s5 =	rddreg [dreg:$0x2]  }
0x4: {  	s4 =	rddreg [dreg:$0x3]  }
0x5: {  	s3 =	rddreg [dreg:$0x4];
	s6 =	stileid.u32  }
0x6: {  	s2 =	rddreg [dreg:$0x5];
	s8 =	simm.s32 $0x0;
	s9 =	sshll.u32 s6, $0xC  }
0x7: {  	[smem:$0x7FF] =	sst s8;
	s7 =	sadd.s32 s9, s7  }
0x8: {  	s0 =	rddreg [dreg:$0x6];
	_ =	strace $0x80000047;
	s9 =	sadd.s32 $0x600, s7  }
0x9: {  	[tilespmem:s8], [sflag:$0x1] =	stream.linear.gather [hbm4b:s9+s8], $0x8000, $0x38;
	[tilespmem:$0x116C8] =	vst v63  }
0xa: {  	s31 =	simm.s32 $0x8000;
	s7 =	sadd.s32 $0x10600, s7  }
0xb: {  	v0 =	vimm.s32 $0x0;
	[tilespmem:s31], [sflag:$0x2] =	stream.linear.gather [hbm4b:s7+s8], $0x8000, $0x38;
	[tilespmem:$0x116C8] =	vst v63  }
0xc: {  	[tilespmem:$0x10000] =	vst v0  }
0xd: {  	[tilespmem:$0x10010] =	vst v0  }
0xe: {  	[tilespmem:$0x10020] =	vst v0  }
0xf: {  	[tilespmem:$0x10030] =	vst v0  }
0x10: {  	[tilespmem:$0x10040] =	vst v0  }
0x11: {  	[tilespmem:$0x10050] =	vst v0  }
0x12: {  	[tilespmem:$0x10060] =	vst v0  }
0x13: {  	[tilespmem:$0x10070] =	vst v0  }
0x14: {  	[tilespmem:$0x10080] =	vst v0  }
0x15: {  	[tilespmem:$0x10090] =	vst v0  }
0x16: {  	[tilespmem:$0x100A0] =	vst v0  }
0x17: {  	[tilespmem:$0x100B0] =	vst v0  }
0x18: {  	[tilespmem:$0x100C0] =	vst v0  }
0x19: {  	[tilespmem:$0x100D0] =	vst v0  }
0x1a: {  	[tilespmem:$0x100E0] =	vst v0  }
0x1b: {  	[tilespmem:$0x100F0] =	vst v0  }
0x1c: {  	[tilespmem:$0x10100] =	vst v0  }
0x1d: {  	[tilespmem:$0x10110] =	vst v0  }
0x1e: {  	[tilespmem:$0x10120] =	vst v0  }
0x1f: {  	[tilespmem:$0x10130] =	vst v0  }
0x20: {  	[tilespmem:$0x10140] =	vst v0  }
0x21: {  	[tilespmem:$0x10150] =	vst v0  }
0x22: {  	[tilespmem:$0x10160] =	vst v0  }
0x23: {  	[tilespmem:$0x10170] =	vst v0  }
0x24: {  	[tilespmem:$0x10180] =	vst v0  }
0x25: {  	[tilespmem:$0x10190] =	vst v0  }
0x26: {  	[tilespmem:$0x101A0] =	vst v0  }
0x27: {  	[tilespmem:$0x101B0] =	vst v0  }
0x28: {  	[tilespmem:$0x101C0] =	vst v0  }
0x29: {  	[tilespmem:$0x101D0] =	vst v0  }
0x2a: {  	[tilespmem:$0x101E0] =	vst v0  }
0x2b: {  	[tilespmem:$0x101F0] =	vst v0  }
0x2c: {  	[tilespmem:$0x10200] =	vst v0  }
0x2d: {  	[tilespmem:$0x10210] =	vst v0  }
0x2e: {  	[tilespmem:$0x10220] =	vst v0  }
0x2f: {  	[tilespmem:$0x10230] =	vst v0  }
0x30: {  	[tilespmem:$0x10240] =	vst v0  }
0x31: {  	[tilespmem:$0x10250] =	vst v0  }
0x32: {  	[tilespmem:$0x10260] =	vst v0  }
0x33: {  	[tilespmem:$0x10270] =	vst v0  }
0x34: {  	[tilespmem:$0x10280] =	vst v0  }
0x35: {  	[tilespmem:$0x10290] =	vst v0  }
0x36: {  	[tilespmem:$0x102A0] =	vst v0  }
0x37: {  	[tilespmem:$0x102B0] =	vst v0  }
0x38: {  	[tilespmem:$0x102C0] =	vst v0  }
0x39: {  	[tilespmem:$0x102D0] =	vst v0  }
0x3a: {  	[tilespmem:$0x102E0] =	vst v0  }
0x3b: {  	[tilespmem:$0x102F0] =	vst v0  }
0x3c: {  	[tilespmem:$0x10300] =	vst v0  }
0x3d: {  	[tilespmem:$0x10310] =	vst v0  }
0x3e: {  	[tilespmem:$0x10320] =	vst v0  }
0x3f: {  	[tilespmem:$0x10330] =	vst v0  }
0x40: {  	[tilespmem:$0x10340] =	vst v0  }
0x41: {  	[tilespmem:$0x10350] =	vst v0  }
0x42: {  	[tilespmem:$0x10360] =	vst v0  }
0x43: {  	[tilespmem:$0x10370] =	vst v0  }
0x44: {  	[tilespmem:$0x10380] =	vst v0  }
0x45: {  	[tilespmem:$0x10390] =	vst v0  }
0x46: {  	[tilespmem:$0x103A0] =	vst v0  }
0x47: {  	[tilespmem:$0x103B0] =	vst v0  }
0x48: {  	[tilespmem:$0x103C0] =	vst v0  }
0x49: {  	[tilespmem:$0x103D0] =	vst v0  }
0x4a: {  	[tilespmem:$0x103E0] =	vst v0  }
0x4b: {  	v1 =	vimm.f32 $0.0e+00;
	s7 =	simm.s32 $0x0;
	s8 =	simm.s32 $0x200;
	[tilespmem:$0x103F0] =	vst v0  }
.LBB2_1:
0x4c: {  	p0 =	sne.s32 s8, $0x1E00;
	[tilespmem:s7+$0x10C70] =	vst v1  }
0x4d: {  	[tilespmem:s7+$0x10400] =	vst v0  }
0x4e: {  	[tilespmem:s7+$0x10C00] =	vst v1  }
0x4f: {  	[tilespmem:s7+$0x10410] =	vst v0  }
0x50: {  	[tilespmem:s7+$0x10C10] =	vst v1  }
0x51: {  	[tilespmem:s7+$0x10420] =	vst v0  }
0x52: {  	[tilespmem:s7+$0x10C20] =	vst v1  }
0x53: {  	[tilespmem:s7+$0x10430] =	vst v0  }
0x54: {  	[tilespmem:s7+$0x10C30] =	vst v1  }
0x55: {  	[tilespmem:s7+$0x10440] =	vst v0  }
0x56: {  	[tilespmem:s7+$0x10C40] =	vst v1  }
.Ltmp0:
0x57: {  	[tilespmem:s7+$0x10450] =	vst v0;
	(pc) =	sbr.rel @p0 .LBB2_1-.Ltmp0, $4  }
0x58: {  	[tilespmem:s7+$0x10C50] =	vst v1  }
0x59: {  	[tilespmem:s7+$0x10460] =	vst v0  }
0x5a: {  	[tilespmem:s7+$0x10C60] =	vst v1  }
0x5b: {  	[tilespmem:s7+$0x10470] =	vst v0;
	s7 =	sshra.s32 s8, $0x2;
	s8 =	sadd.s32 $0x200, s8  }
0x5c: {  	[tilespmem:s7+$0x10C70] =	vst v1  }
0x5d: {  	[tilespmem:s7+$0x10400] =	vst v0  }
0x5e: {  	[tilespmem:s7+$0x10C00] =	vst v1  }
0x5f: {  	[tilespmem:s7+$0x10410] =	vst v0  }
0x60: {  	[tilespmem:s7+$0x10C10] =	vst v1  }
0x61: {  	[tilespmem:s7+$0x10420] =	vst v0  }
0x62: {  	[tilespmem:s7+$0x10C20] =	vst v1  }
0x63: {  	[tilespmem:s7+$0x10430] =	vst v0  }
0x64: {  	[tilespmem:s7+$0x10C30] =	vst v1  }
0x65: {  	[tilespmem:s7+$0x10440] =	vst v0  }
0x66: {  	[tilespmem:s7+$0x10C40] =	vst v1  }
0x67: {  	[tilespmem:s7+$0x10450] =	vst v0  }
0x68: {  	[tilespmem:s7+$0x10C50] =	vst v1  }
0x69: {  	[tilespmem:s7+$0x10460] =	vst v0  }
0x6a: {  	[tilespmem:s7+$0x10C60] =	vst v1  }
0x6b: {  	[tilespmem:s7+$0x10470] =	vst v0;
	p0 =	sne.s32 s6, $0x0;
	v0 =	vimm.f32 $0.0e+00  }
0x6c: {  	[tilespmem:$0x11400] =	vst v0;
	s6 =	simm.s32 @!p0 $0x10000  }
0x6d: {  	[spmem:s5] =	stream.linear.scatter @!p0 [tilespmem:s6], [sflag:$0x3], $0x400, $0x38;
	[tilespmem:$0x116C8] =	vst v63  }
0x6e: {  	s6 =	simm.s32 @!p0 $0x3  }
0x6f: {  	_ =	swait.ge @!p0 [sflag:s6], $0x400  }
0x70: {  	[sflag:s6] =	ssyncset.done @!p0 $0x0  }
0x71: {  	s7 =	simm.s32 @!p0 $0x10400;
	[sflag:s6] =	ssyncadd.s32 @!p0 $0xFFFFFC00  }
0x72: {  	[spmem:s4] =	stream.linear.scatter @!p0 [tilespmem:s7], [sflag:$0x3], $0x800, $0x38;
	[tilespmem:$0x116C8] =	vst v63  }
0x73: {  	_ =	swait.ge @!p0 [sflag:s6], $0x800  }
0x74: {  	[sflag:s6] =	ssyncset.done @!p0 $0x0  }
0x75: {  	s7 =	simm.s32 @!p0 $0x10C00;
	[sflag:s6] =	ssyncadd.s32 @!p0 $0xFFFFF800  }
0x76: {  	[spmem:s3] =	stream.linear.scatter @!p0 [tilespmem:s7], [sflag:$0x3], $0x800, $0x38;
	[tilespmem:$0x116C8] =	vst v63  }
0x77: {  	_ =	swait.ge @!p0 [sflag:s6], $0x800  }
0x78: {  	[sflag:s6] =	ssyncset.done @!p0 $0x0  }
0x79: {  	s7 =	simm.s32 @!p0 $0x11400;
	[sflag:s6] =	ssyncadd.s32 @!p0 $0xFFFFF800  }
0x7a: {  	[spmem:s2] =	stream.linear.scatter @!p0 [tilespmem:s7], [sflag:$0x3], $0x80, $0x38;
	[tilespmem:$0x116C8] =	vst v63  }
0x7b: {  	_ =	swait.ge @!p0 [sflag:s6], $0x80  }
0x7c: {  	[sflag:s6] =	ssyncset.done @!p0 $0x0  }
0x7d: {  	[sflag:s6] =	ssyncadd.s32 @!p0 $0xFFFFFF80  }
0x7e: {  	s28 =	simm.s32 $0x11500;
	s29 =	simm.s32 $0x3;
	[bflag:$0x0] =	sbarrier.arrive $0xFFFF  }
0x7f: {  	[tilespmem:s28], [sflag:$0x3] =	stream.linear.gather [spmem:s5], $0x1, $0x38;
	[tilespmem:$0x116C8] =	vst v63  }
0x80: {  	_ =	swait.ge [sflag:s29], $0x1  }
0x81: {  	[sflag:s29] =	ssyncset.done $0x0  }
0x82: {  	s30 =	simm.s32 $0x1;
	[sflag:s29] =	ssyncadd.s32 $0xFFFFFFFF  }
0x83: {  	_ =	swait.ge [sflag:s30], $0x8000  }
0x84: {  	[sflag:s30] =	ssyncset.done $0x0  }
0x85: {  	s31 =	simm.s32 $0x2;
	[sflag:s30] =	ssyncadd.s32 $0xFFFF8000  }
0x86: {  	_ =	swait.ge [sflag:s31], $0x8000  }
0x87: {  	[sflag:s31] =	ssyncset.done $0x0  }
0x88: {  	v0 =	vimm.s32 $0x1;
	s7 =	simm.s32 $0x10000;
	s6 =	simm.s32 $0x0;
	[sflag:s31] =	ssyncadd.s32 $0xFFFF8000  }
.LBB2_3:
0x89: {  	s8 =	sshra.s32 s6, $0x2  }
0x8a: {  	v1 =	vld [tilespmem:s8+$0x0]  }
0x8b: {  	v2 =	vld [tilespmem:s8+$0x8000];
	_ =	sdelay $0x4  }
0x8c: {  	v1 =	vsub.f32 v1, v2;
	_ =	sdelay $0x1  }
0x8d: {  	v1 =	vand.u32 $0x7FFFFFFF, v1  }
0x8e: {  	v2 =	vshrl.u32 v1, $0x15;
	_ =	sdelay $0x3  }
0x8f: {  	[tilespmem:s8+$0x0] =	vst v1  }
0x90: {  	[tilespmem:v2+s7+$0x0] =	vst.idx.add.s32.msk $0xffff, v0  }
0x91: {  	v1 =	vld [tilespmem:s8+$0x10]  }
0x92: {  	v2 =	vld [tilespmem:s8+$0x8010];
	_ =	sdelay $0x4  }
0x93: {  	v1 =	vsub.f32 v1, v2;
	_ =	sdelay $0x1  }
0x94: {  	v1 =	vand.u32 $0x7FFFFFFF, v1  }
0x95: {  	v2 =	vshrl.u32 v1, $0x15;
	_ =	sdelay $0x3  }
0x96: {  	[tilespmem:s8+$0x10] =	vst v1  }
0x97: {  	[tilespmem:v2+s7+$0x0] =	vst.idx.add.s32.msk $0xffff, v0  }
0x98: {  	v1 =	vld [tilespmem:s8+$0x20]  }
0x99: {  	v2 =	vld [tilespmem:s8+$0x8020];
	_ =	sdelay $0x4  }
0x9a: {  	v1 =	vsub.f32 v1, v2;
	_ =	sdelay $0x1  }
0x9b: {  	v1 =	vand.u32 $0x7FFFFFFF, v1  }
0x9c: {  	v2 =	vshrl.u32 v1, $0x15;
	_ =	sdelay $0x3  }
0x9d: {  	[tilespmem:s8+$0x20] =	vst v1  }
0x9e: {  	[tilespmem:v2+s7+$0x0] =	vst.idx.add.s32.msk $0xffff, v0  }
0x9f: {  	v1 =	vld [tilespmem:s8+$0x30]  }
0xa0: {  	v2 =	vld [tilespmem:s8+$0x8030];
	_ =	sdelay $0x4  }
0xa1: {  	v1 =	vsub.f32 v1, v2;
	_ =	sdelay $0x1  }
0xa2: {  	v1 =	vand.u32 $0x7FFFFFFF, v1  }
0xa3: {  	v2 =	vshrl.u32 v1, $0x15;
	_ =	sdelay $0x3  }
0xa4: {  	[tilespmem:s8+$0x30] =	vst v1  }
0xa5: {  	[tilespmem:v2+s7+$0x0] =	vst.idx.add.s32.msk $0xffff, v0  }
0xa6: {  	v1 =	vld [tilespmem:s8+$0x40]  }
0xa7: {  	v2 =	vld [tilespmem:s8+$0x8040];
	_ =	sdelay $0x4  }
0xa8: {  	v1 =	vsub.f32 v1, v2;
	_ =	sdelay $0x1  }
0xa9: {  	v1 =	vand.u32 $0x7FFFFFFF, v1  }
0xaa: {  	v2 =	vshrl.u32 v1, $0x15;
	_ =	sdelay $0x3  }
0xab: {  	[tilespmem:s8+$0x40] =	vst v1  }
0xac: {  	[tilespmem:v2+s7+$0x0] =	vst.idx.add.s32.msk $0xffff, v0  }
0xad: {  	v1 =	vld [tilespmem:s8+$0x50]  }
0xae: {  	v2 =	vld [tilespmem:s8+$0x8050];
	_ =	sdelay $0x4  }
0xaf: {  	v1 =	vsub.f32 v1, v2;
	_ =	sdelay $0x1  }
0xb0: {  	v1 =	vand.u32 $0x7FFFFFFF, v1  }
0xb1: {  	v2 =	vshrl.u32 v1, $0x15;
	_ =	sdelay $0x3  }
0xb2: {  	[tilespmem:s8+$0x50] =	vst v1  }
0xb3: {  	[tilespmem:v2+s7+$0x0] =	vst.idx.add.s32.msk $0xffff, v0  }
0xb4: {  	v1 =	vld [tilespmem:s8+$0x60]  }
0xb5: {  	v2 =	vld [tilespmem:s8+$0x8060];
	_ =	sdelay $0x4  }
0xb6: {  	v1 =	vsub.f32 v1, v2;
	_ =	sdelay $0x1  }
0xb7: {  	v1 =	vand.u32 $0x7FFFFFFF, v1  }
0xb8: {  	v2 =	vshrl.u32 v1, $0x15;
	_ =	sdelay $0x3  }
0xb9: {  	[tilespmem:s8+$0x60] =	vst v1  }
0xba: {  	[tilespmem:v2+s7+$0x0] =	vst.idx.add.s32.msk $0xffff, v0  }
0xbb: {  	v1 =	vld [tilespmem:s8+$0x70]  }
0xbc: {  	v2 =	vld [tilespmem:s8+$0x8070];
	_ =	sdelay $0x4  }
0xbd: {  	v1 =	vsub.f32 v1, v2;
	_ =	sdelay $0x1  }
0xbe: {  	v1 =	vand.u32 $0x7FFFFFFF, v1  }
0xbf: {  	p1 =	sne.s32 s6, $0x1FE00;
	v2 =	vshrl.u32 v1, $0x15  }
.Ltmp1:
0xc0: {  	_ = 	snop;
	(pc) =	sbr.rel @p1 .LBB2_3-.Ltmp1, $3  }
0xc1: {  	_ =	sdelay $0x1  }
0xc2: {  	[tilespmem:s8+$0x70] =	vst v1  }
0xc3: {  	s6 =	sadd.s32 $0x200, s6;
	[tilespmem:v2+s7+$0x0] =	vst.idx.add.s32.msk $0xffff, v0  }
0xc4: {  	[bflag:$0x0] =	sbarrier.arrive $0xFFFF;
	s6 =	simm.s32 $0x1  }
0xc5: {  	s7 =	simm.s32 $0x11500;
	s8 =	simm.s32 $0x10000;
	s26 =	simm.s32 $0x3  }
0xc6: {  	[spmem:s5] =	stream.indirect.scatter.add.s32 [tilespmem:s8], [sflag:$0x3], $0x400, s7, s6, $0xb8;
	[tilespmem:$0x116C8] =	vst v63  }
0xc7: {  	_ =	swait.ge [sflag:s26], $0x400  }
0xc8: {  	[sflag:s26] =	ssyncset.done $0x0  }
0xc9: {  	[sflag:s26] =	ssyncadd.s32 $0xFFFFFC00  }
0xca: {  	[bflag:$0x0] =	sbarrier.arrive $0xFFFF  }
0xcb: {  	[tilespmem:s8], [sflag:$0x3] =	stream.linear.gather [spmem:s5], $0x400, $0x38;
	[tilespmem:$0x116C8] =	vst v63  }
0xcc: {  	_ =	swait.ge [sflag:s26], $0x400  }
0xcd: {  	[sflag:s26] =	ssyncset.done $0x0  }
0xce: {  	s28 =	simm.s32 $0x0;
	[sflag:s26] =	ssyncadd.s32 $0xFFFFFC00  }
0xcf: {  	v0 =	vld [tilespmem:s28+$0x10000];
	_ =	sdelay $0x4  }
0xd0: {  	(xrf0) =	vadd.scan.msk.s32 $0xffff, v0;
	_ =	sdelay $0x5  }
0xd1: {  	s29 =	simm.s32 $0x0;
	v0, _, _ =	vpop (xrf0)  }
0xd2: {  	v1 =	vadd.s32 s29, v0  }
0xd3: {  	v0 =	vxor.u32 $0x80000000, v1  }
0xd4: {  	(xrf0) =	vmax.scan.msk.u32 $0xffff, v0;
	_ =	sdelay $0x5  }
0xd5: {  	v0, _, _ =	vpop (xrf0)  }
0xd6: {  	(v2sf) =	vpush v0, $0xF;
	_ =	sdelay $0x4  }
0xd7: {  	v0 =	vld [tilespmem:s28+$0x10010];
	_ =	sdelay $0x4  }
0xd8: {  	(xrf0) =	vadd.scan.msk.s32 $0xffff, v0;
	_ =	sdelay $0x4  }
0xd9: {  	s30 =	spop (v2sf)  }
0xda: {  	v0, _, _ =	vpop (xrf0);
	s5 =	sxor.u32 $0x80000000, s30  }
0xdb: {  	v2 =	vadd.s32 s5, v0  }
0xdc: {  	v0 =	vxor.u32 $0x80000000, v2  }
0xdd: {  	(xrf0) =	vmax.scan.msk.u32 $0xffff, v0;
	_ =	sdelay $0x5  }
0xde: {  	v0, _, _ =	vpop (xrf0)  }
0xdf: {  	(v2sf) =	vpush v0, $0xF;
	_ =	sdelay $0x4  }
0xe0: {  	s31 =	simm.s32 $0x20  }
0xe1: {  	v4 =	vld [tilespmem:s31+$0x10000];
	_ =	sdelay $0x3  }
0xe2: {  	vm0 =	vlt.s32 v1, $0x73334  }
0xe3: {  	v1 =	vnsel vm0, $0x0, v1;
	(xrf0) =	vadd.scan.msk.s32 $0xffff, v4;
	v0 =	vimm.s32 $0x0  }
0xe4: {  	vm2 =	vlt.s32 v2, $0x73334;
	vm1 =	vgt.s32 v0, v1  }
0xe5: {  	v5 =	vnsel vm2, $0x0, v2;
	v3 =	vsel vm0, $0x1, v0;
	v1 =	vsel vm1, v0, v1  }
0xe6: {  	v2 =	vadd.s32 v3, v0;
	v3 =	vsel vm2, $0x1, v0;
	vm15 =	vgt.s32 v1, v5  }
0xe7: {  	s5 =	simm.s32 $0x100;
	v2 =	vadd.s32 v3, v2;
	v3 =	vld [tilespmem:s31+$0x10010];
	v1 =	vsel vm15, v1, v5;
	s6 =	spop (v2sf)  }
.LBB2_5:
0xe8: {  	p1 =	sne.s32 s5, $0xF80  }
0xe9: {  	v4, _, _ =	vpop (xrf0);
	s7 =	sxor.u32 $0x80000000, s6;
	s6 =	smov.u32 s5;
	s5 =	sadd.s32 $0x80, s5  }
0xea: {  	v4 =	vadd.s32 s7, v4  }
0xeb: {  	v5 =	vxor.u32 $0x80000000, v4;
	vm0 =	vlt.s32 v4, $0x73334  }
0xec: {  	v6 =	vsel vm0, $0x1, v0;
	v4 =	vnsel vm0, $0x0, v4;
	(xrf0) =	vmax.scan.msk.u32 $0xffff, v5  }
0xed: {  	vm0 =	vgt.s32 v1, v4;
	_ =	sdelay $0x4  }
0xee: {  	v5, _, _ =	vpop (xrf0)  }
0xef: {  	(v2sf) =	vpush v5, $0xF;
	_ =	sdelay $0x9  }
0xf0: {  	(xrf0) =	vadd.scan.msk.s32 $0xffff, v3;
	_ =	sdelay $0x4  }
0xf1: {  	s7 =	spop (v2sf)  }
0xf2: {  	s7 =	sxor.u32 $0x80000000, s7;
	v3, _, _ =	vpop (xrf0)  }
0xf3: {  	v3 =	vadd.s32 s7, v3  }
0xf4: {  	v2 =	vadd.s32 v6, v2;
	v5 =	vxor.u32 $0x80000000, v3;
	vm1 =	vlt.s32 v3, $0x73334  }
0xf5: {  	v1 =	vsel vm0, v1, v4;
	v6 =	vsel vm1, $0x1, v0;
	v3 =	vnsel vm1, $0x0, v3;
	(xrf0) =	vmax.scan.msk.u32 $0xffff, v5  }
0xf6: {  	v2 =	vadd.s32 v6, v2;
	vm0 =	vgt.s32 v1, v3  }
0xf7: {  	v1 =	vsel vm0, v1, v3;
	_ =	sdelay $0x3  }
0xf8: {  	v3, _, _ =	vpop (xrf0)  }
0xf9: {  	(v2sf) =	vpush v3, $0xF;
	_ =	sdelay $0x3  }
0xfa: {  	s6 =	sshra.s32 s6, $0x2  }
0xfb: {  	v4 =	vld [tilespmem:s6+$0x10000]  }
0xfc: {  	v3 =	vld [tilespmem:s6+$0x10010];
	_ =	sdelay $0x3  }
0xfd: {  	(xrf0) =	vadd.scan.msk.s32 $0xffff, v4  }
.Ltmp2:
0xfe: {  	(pc) =	sbr.rel @p1 .LBB2_5-.Ltmp2, $2  }
0xff: {  	_ =	sdelay $0x2  }
0x100: {  	s6 =	spop (v2sf)  }
0x101: {  	v4, _, _ =	vpop (xrf0);
	s5 =	sxor.u32 $0x80000000, s6  }
0x102: {  	v4 =	vadd.s32 s5, v4  }
0x103: {  	v5 =	vxor.u32 $0x80000000, v4  }
0x104: {  	(xrf0) =	vmax.scan.msk.u32 $0xffff, v5;
	_ =	sdelay $0x5  }
0x105: {  	v5, _, _ =	vpop (xrf0)  }
0x106: {  	(v2sf) =	vpush v5, $0xF;
	_ =	sdelay $0x9  }
0x107: {  	(xrf0) =	vadd.scan.msk.s32 $0xffff, v3;
	_ =	sdelay $0x4  }
0x108: {  	s30 =	spop (v2sf)  }
0x109: {  	v3, _, _ =	vpop (xrf0);
	s5 =	sxor.u32 $0x80000000, s30  }
0x10a: {  	v3 =	vadd.s32 s5, v3  }
0x10b: {  	v5 =	vxor.u32 $0x80000000, v3  }
0x10c: {  	(xrf0) =	vmax.scan.msk.u32 $0xffff, v5;
	_ =	sdelay $0x5  }
0x10d: {  	v5, _, _ =	vpop (xrf0)  }
0x10e: {  	(v2sf) =	vpush v5, $0xF;
	_ =	sdelay $0x3  }
0x10f: {  	vm0 =	vlt.s32 v4, $0x73334  }
0x110: {  	vm1 =	vlt.s32 v3, $0x73334;
	v5 =	vsel vm0, $0x1, v0  }
0x111: {  	v0 =	vsel vm1, $0x1, v0;
	v2 =	vadd.s32 v5, v2  }
0x112: {  	v0 =	vadd.s32 v0, v2  }
0x113: {  	(xrf0) =	vadd.scan.msk.s32 $0xffff, v0  }
0x114: {  	v0 =	vnsel vm0, $0x0, v4  }
0x115: {  	vm0 =	vgt.s32 v1, v0  }
0x116: {  	v0 =	vsel vm0, v1, v0  }
0x117: {  	v1 =	vnsel vm1, $0x0, v3  }
0x118: {  	vm0 =	vgt.s32 v0, v1  }
0x119: {  	s6 =	simm.s32 $0x10400;
	v1 =	vsel vm0, v0, v1;
	v0, _, _ =	vpop (xrf0)  }
0x11a: {  	s7 =	simm.s32 $0x10C00;
	s5 =	simm.s32 $0x0;
	v4 =	vimm.f32 $0.0e+00;
	v3 =	vimm.s32 $0x1;
	v2 =	vbroadcast v0, $0xF;
	s31 =	spop (v2sf)  }
.LBB2_7:
0x11b: {  	s8 =	sshra.s32 s5, $0x2  }
0x11c: {  	v5 =	vld [tilespmem:s8+$0x0];
	_ =	sdelay $0x4  }
0x11d: {  	v6 =	vshra.s32 v5, $0x15  }
0x11e: {  	v7 =	vshrl.u32 v5, $0xA;
	vm0 =	veq.s32 v6, v2  }
0x11f: {  	v7 =	vand.u32 $0x7FF, v7;
	_ =	sdelay $0x4  }
0x120: {  	[tilespmem:v7+s6+$0x0] =	vst.idx.add.s32.msk vm0, v3  }
0x121: {  	[tilespmem:v7+s7+$0x0] =	vst.idx.add.f32.msk vm0, v5  }
0x122: {  	v7 =	vld [tilespmem:s8+$0x10];
	_ =	sdelay $0x4  }
0x123: {  	v8 =	vshra.s32 v7, $0x15  }
0x124: {  	v9 =	vshrl.u32 v7, $0xA;
	vm14 =	veq.s32 v8, v2  }
0x125: {  	v9 =	vand.u32 $0x7FF, v9;
	_ =	sdelay $0x4  }
0x126: {  	[tilespmem:v9+s6+$0x0] =	vst.idx.add.s32.msk vm14, v3  }
0x127: {  	[tilespmem:v9+s7+$0x0] =	vst.idx.add.f32.msk vm14, v7  }
0x128: {  	v9 =	vld [tilespmem:s8+$0x20];
	_ =	sdelay $0x4  }
0x129: {  	v10 =	vshra.s32 v9, $0x15  }
0x12a: {  	v11 =	vshrl.u32 v9, $0xA;
	vm15 =	veq.s32 v10, v2  }
0x12b: {  	v11 =	vand.u32 $0x7FF, v11;
	_ =	sdelay $0x4  }
0x12c: {  	[tilespmem:v11+s6+$0x0] =	vst.idx.add.s32.msk vm15, v3  }
0x12d: {  	[tilespmem:v11+s7+$0x0] =	vst.idx.add.f32.msk vm15, v9  }
0x12e: {  	v11 =	vld [tilespmem:s8+$0x30];
	_ =	sdelay $0x4  }
0x12f: {  	v12 =	vshra.s32 v11, $0x15  }
0x130: {  	v13 =	vshrl.u32 v11, $0xA;
	vm4 =	veq.s32 v12, v2  }
0x131: {  	v13 =	vand.u32 $0x7FF, v13;
	_ =	sdelay $0x4  }
0x132: {  	[tilespmem:v13+s6+$0x0] =	vst.idx.add.s32.msk vm4, v3  }
0x133: {  	[tilespmem:v13+s7+$0x0] =	vst.idx.add.f32.msk vm4, v11  }
0x134: {  	v13 =	vld [tilespmem:s8+$0x40];
	_ =	sdelay $0x4  }
0x135: {  	v14 =	vshra.s32 v13, $0x15  }
0x136: {  	v15 =	vshrl.u32 v13, $0xA;
	vm5 =	veq.s32 v14, v2  }
0x137: {  	v15 =	vand.u32 $0x7FF, v15;
	_ =	sdelay $0x4  }
0x138: {  	[tilespmem:v15+s6+$0x0] =	vst.idx.add.s32.msk vm5, v3  }
0x139: {  	[tilespmem:v15+s7+$0x0] =	vst.idx.add.f32.msk vm5, v13  }
0x13a: {  	v15 =	vld [tilespmem:s8+$0x50];
	_ =	sdelay $0x4  }
0x13b: {  	v16 =	vshra.s32 v15, $0x15  }
0x13c: {  	v17 =	vshrl.u32 v15, $0xA;
	vm6 =	veq.s32 v16, v2  }
0x13d: {  	v17 =	vand.u32 $0x7FF, v17;
	_ =	sdelay $0x4  }
0x13e: {  	[tilespmem:v17+s6+$0x0] =	vst.idx.add.s32.msk vm6, v3  }
0x13f: {  	[tilespmem:v17+s7+$0x0] =	vst.idx.add.f32.msk vm6, v15  }
0x140: {  	v17 =	vld [tilespmem:s8+$0x60];
	_ =	sdelay $0x4  }
0x141: {  	v18 =	vshra.s32 v17, $0x15  }
0x142: {  	v19 =	vshrl.u32 v17, $0xA;
	vm7 =	veq.s32 v18, v2  }
0x143: {  	v19 =	vand.u32 $0x7FF, v19;
	_ =	sdelay $0x3  }
0x144: {  	vm1 =	vlt.s32 v6, v2  }
0x145: {  	v5 =	vnsel vm1, $0x0, v5;
	[tilespmem:v19+s6+$0x0] =	vst.idx.add.s32.msk vm7, v3  }
0x146: {  	v4 =	vadd.f32 v5, v4;
	vm8 =	vlt.s32 v8, v2;
	[tilespmem:v19+s7+$0x0] =	vst.idx.add.f32.msk vm7, v17  }
0x147: {  	v5 =	vnsel vm8, $0x0, v7;
	v6 =	vld [tilespmem:s8+$0x70]  }
0x148: {  	v4 =	vadd.f32 v5, v4;
	vm9 =	vlt.s32 v10, v2  }
0x149: {  	v5 =	vnsel vm9, $0x0, v9  }
0x14a: {  	v4 =	vadd.f32 v5, v4;
	vm10 =	vlt.s32 v12, v2  }
0x14b: {  	v5 =	vnsel vm10, $0x0, v11  }
0x14c: {  	v4 =	vadd.f32 v5, v4;
	vm11 =	vlt.s32 v14, v2;
	v5 =	vshra.s32 v6, $0x15  }
0x14d: {  	v7 =	vnsel vm11, $0x0, v13;
	v61 =	vshrl.u32 v6, $0xA;
	vm12 =	veq.s32 v5, v2  }
0x14e: {  	v4 =	vadd.f32 v7, v4;
	vm13 =	vlt.s32 v16, v2;
	v7 =	vand.u32 $0x7FF, v61  }
0x14f: {  	p1 =	sne.s32 s5, $0x1FE00;
	v62 =	vnsel vm13, $0x0, v15  }
.Ltmp3:
0x150: {  	v4 =	vadd.f32 v62, v4;
	vm14 =	vlt.s32 v18, v2;
	(pc) =	sbr.rel @p1 .LBB2_7-.Ltmp3, $4  }
0x151: {  	v63 =	vnsel vm14, $0x0, v17  }
0x152: {  	v4 =	vadd.f32 v63, v4;
	vm15 =	vlt.s32 v5, v2  }
0x153: {  	v5 =	vnsel vm15, $0x0, v6;
	[tilespmem:v7+s6+$0x0] =	vst.idx.add.s32.msk vm12, v3  }
0x154: {  	s5 =	sadd.s32 $0x200, s5;
	v4 =	vadd.f32 v5, v4;
	[tilespmem:v7+s7+$0x0] =	vst.idx.add.f32.msk vm12, v6  }
0x155: {  	v1 =	vxor.u32 $0x80000000, v1  }
0x156: {  	(xrf0) =	vmax.scan.msk.u32 $0xffff, v1;
	_ =	sdelay $0x5  }
0x157: {  	v1, _, _ =	vpop (xrf0)  }
0x158: {  	(v2sf) =	vpush v1, $0xF;
	_ =	sdelay $0xe  }
0x159: {  	s6 =	simm.s32 $0x1;
	s7 =	simm.s32 $0x11500;
	[tilespmem:$0x11400] =	vst v4;
	s5 =	spop (v2sf)  }
0x15a: {  	s8 =	simm.s32 $0x10400;
	s9 =	simm.s32 $0x3;
	[bflag:$0x0] =	sbarrier.arrive $0xFFFF  }
0x15b: {  	[spmem:s4] =	stream.indirect.scatter.add.s32 [tilespmem:s8], [sflag:$0x3], $0x800, s7, s6, $0xb8;
	[tilespmem:$0x116C8] =	vst v63  }
0x15c: {  	_ =	swait.ge [sflag:s9], $0x800  }
0x15d: {  	[sflag:s9] =	ssyncset.done $0x0  }
0x15e: {  	s10 =	simm.s32 $0x10C00;
	[sflag:s9] =	ssyncadd.s32 $0xFFFFF800  }
0x15f: {  	[spmem:s3] =	stream.indirect.scatter.add.f32 [tilespmem:s10], [sflag:$0x3], $0x800, s7, s6, $0xb8;
	[tilespmem:$0x116C8] =	vst v63  }
0x160: {  	_ =	swait.ge [sflag:s9], $0x800  }
0x161: {  	[sflag:s9] =	ssyncset.done $0x0  }
0x162: {  	s11 =	simm.s32 $0x11400;
	[sflag:s9] =	ssyncadd.s32 $0xFFFFF800  }
0x163: {  	[spmem:s2] =	stream.indirect.scatter.add.f32 [tilespmem:s11], [sflag:$0x3], $0x10, s7, s6, $0xb8;
	[tilespmem:$0x116C8] =	vst v63  }
0x164: {  	_ =	swait.ge [sflag:s9], $0x10  }
0x165: {  	[sflag:s9] =	ssyncset.done $0x0  }
0x166: {  	[sflag:s9] =	ssyncadd.s32 $0xFFFFFFF0  }
0x167: {  	[bflag:$0x0] =	sbarrier.arrive $0xFFFF  }
0x168: {  	[tilespmem:s8], [sflag:$0x3] =	stream.linear.gather [spmem:s4], $0x800, $0x38;
	[tilespmem:$0x116C8] =	vst v63  }
0x169: {  	_ =	swait.ge [sflag:s9], $0x800  }
0x16a: {  	[sflag:s9] =	ssyncset.done $0x0  }
0x16b: {  	[sflag:s9] =	ssyncadd.s32 $0xFFFFF800  }
0x16c: {  	[tilespmem:s10], [sflag:$0x3] =	stream.linear.gather [spmem:s3], $0x800, $0x38;
	[tilespmem:$0x116C8] =	vst v63  }
0x16d: {  	_ =	swait.ge [sflag:s9], $0x800  }
0x16e: {  	[sflag:s9] =	ssyncset.done $0x0  }
0x16f: {  	s28 =	simm.s32 $0x0;
	[sflag:s9] =	ssyncadd.s32 $0xFFFFF800  }
0x170: {  	v1 =	vld [tilespmem:s28+$0x10400];
	_ =	sdelay $0x4  }
0x171: {  	(xrf0) =	vadd.scan.msk.s32 $0xffff, v1;
	_ =	sdelay $0x5  }
0x172: {  	s29 =	simm.s32 $0x0;
	v1, _, _ =	vpop (xrf0)  }
0x173: {  	v3 =	vadd.s32 s29, v1  }
0x174: {  	v1 =	vxor.u32 $0x80000000, v3  }
0x175: {  	(xrf0) =	vmax.scan.msk.u32 $0xffff, v1;
	_ =	sdelay $0x5  }
0x176: {  	v1, _, _ =	vpop (xrf0)  }
0x177: {  	(v2sf) =	vpush v1, $0xF;
	_ =	sdelay $0x4  }
0x178: {  	v1 =	vld [tilespmem:s28+$0x10410];
	_ =	sdelay $0x4  }
0x179: {  	(xrf0) =	vadd.scan.msk.s32 $0xffff, v1;
	_ =	sdelay $0x4  }
0x17a: {  	s30 =	spop (v2sf)  }
0x17b: {  	v1, _, _ =	vpop (xrf0);
	s3 =	sxor.u32 $0x80000000, s30  }
0x17c: {  	v4 =	vadd.s32 s3, v1  }
0x17d: {  	v1 =	vxor.u32 $0x80000000, v4  }
0x17e: {  	(xrf0) =	vmax.scan.msk.u32 $0xffff, v1;
	_ =	sdelay $0x5  }
0x17f: {  	v1, _, _ =	vpop (xrf0)  }
0x180: {  	(v2sf) =	vpush v1, $0xF;
	_ =	sdelay $0x4  }
0x181: {  	s4 =	simm.s32 $0x20;
	v5 =	vld [tilespmem:s28+$0x10C00]  }
0x182: {  	v8 =	vld [tilespmem:s4+$0x10400]  }
0x183: {  	s31 =	sxor.u32 $0x80000000, s5;
	v6 =	vld [tilespmem:s28+$0x10C10]  }
0x184: {  	s3 =	ssub.s32 $0x73334, s31  }
0x185: {  	v2 =	vmov s3  }
0x186: {  	v7 =	vimm.f32 $0.0e+00;
	vm0 =	vlt.s32 v3, v2;
	vm1 =	vlt.s32 v4, v2  }
0x187: {  	v3 =	vnsel vm0, $0x0, v3;
	v5 =	vnsel vm0, $0x0, v5;
	(xrf0) =	vadd.scan.msk.s32 $0xffff, v8;
	v1 =	vimm.s32 $0x0  }
0x188: {  	v4 =	vnsel vm1, $0x0, v4;
	v10 =	vnsel vm1, $0x0, v6;
	vm15 =	vgt.s32 v1, v3  }
0x189: {  	v5 =	vadd.f32 v5, v7;
	v9 =	vsel vm0, $0x1, v1;
	v7 =	vsel vm15, v1, v3  }
0x18a: {  	v6 =	vld [tilespmem:s4+$0x10410];
	v9 =	vadd.s32 v9, v1;
	v3 =	vsel vm1, $0x1, v1;
	vm0 =	vgt.s32 v7, v4  }
0x18b: {  	s5 =	simm.s32 $0x100;
	v5 =	vadd.f32 v10, v5;
	v3 =	vadd.s32 v3, v9;
	v4 =	vsel vm0, v7, v4;
	v7 =	vld [tilespmem:s4+$0x10C00];
	s6 =	spop (v2sf)  }
.LBB2_9:
0x18c: {  	p1 =	sne.s32 s5, $0x1F80  }
0x18d: {  	v8, _, _ =	vpop (xrf0);
	s7 =	sxor.u32 $0x80000000, s6;
	s6 =	smov.u32 s5;
	s5 =	sadd.s32 $0x80, s5  }
0x18e: {  	v8 =	vadd.s32 s7, v8  }
0x18f: {  	v9 =	vxor.u32 $0x80000000, v8;
	vm0 =	vlt.s32 v8, v2  }
0x190: {  	v10 =	vsel vm0, $0x1, v1;
	v8 =	vnsel vm0, $0x0, v8;
	v7 =	vnsel vm0, $0x0, v7;
	(xrf0) =	vmax.scan.msk.u32 $0xffff, v9  }
0x191: {  	vm0 =	vgt.s32 v4, v8;
	_ =	sdelay $0x4  }
0x192: {  	v9, _, _ =	vpop (xrf0)  }
0x193: {  	(v2sf) =	vpush v9, $0xF;
	_ =	sdelay $0x9  }
0x194: {  	(xrf0) =	vadd.scan.msk.s32 $0xffff, v6;
	_ =	sdelay $0x3  }
0x195: {  	v6 =	vld [tilespmem:s4+$0x10C10]  }
0x196: {  	s4 =	spop (v2sf)  }
0x197: {  	s4 =	sxor.u32 $0x80000000, s4;
	v9, _, _ =	vpop (xrf0)  }
0x198: {  	v3 =	vadd.s32 v10, v3;
	v5 =	vadd.f32 v7, v5;
	v9 =	vadd.s32 s4, v9  }
0x199: {  	v4 =	vsel vm0, v4, v8;
	v7 =	vxor.u32 $0x80000000, v9;
	vm1 =	vlt.s32 v9, v2  }
0x19a: {  	v8 =	vsel vm1, $0x1, v1;
	v9 =	vnsel vm1, $0x0, v9;
	v6 =	vnsel vm1, $0x0, v6;
	(xrf0) =	vmax.scan.msk.u32 $0xffff, v7  }
0x19b: {  	v3 =	vadd.s32 v8, v3;
	vm0 =	vgt.s32 v4, v9;
	v5 =	vadd.f32 v6, v5  }
0x19c: {  	v4 =	vsel vm0, v4, v9;
	_ =	sdelay $0x3  }
0x19d: {  	v6, _, _ =	vpop (xrf0)  }
0x19e: {  	(v2sf) =	vpush v6, $0xF;
	_ =	sdelay $0x3  }
0x19f: {  	s4 =	sshra.s32 s6, $0x2  }
0x1a0: {  	v7 =	vld [tilespmem:s4+$0x10400]  }
0x1a1: {  	v6 =	vld [tilespmem:s4+$0x10410];
	_ =	sdelay $0x3  }
0x1a2: {  	(xrf0) =	vadd.scan.msk.s32 $0xffff, v7  }
.Ltmp4:
0x1a3: {  	(pc) =	sbr.rel @p1 .LBB2_9-.Ltmp4, $3  }
0x1a4: {  	_ =	sdelay $0x1  }
0x1a5: {  	v7 =	vld [tilespmem:s4+$0x10C00]  }
0x1a6: {  	s6 =	spop (v2sf)  }
0x1a7: {  	v8, _, _ =	vpop (xrf0);
	s5 =	sxor.u32 $0x80000000, s6  }
0x1a8: {  	v8 =	vadd.s32 s5, v8  }
0x1a9: {  	v9 =	vxor.u32 $0x80000000, v8  }
0x1aa: {  	(xrf0) =	vmax.scan.msk.u32 $0xffff, v9;
	_ =	sdelay $0x5  }
0x1ab: {  	v9, _, _ =	vpop (xrf0)  }
0x1ac: {  	(v2sf) =	vpush v9, $0xF;
	_ =	sdelay $0x9  }
0x1ad: {  	(xrf0) =	vadd.scan.msk.s32 $0xffff, v6;
	_ =	sdelay $0x4  }
0x1ae: {  	s30 =	spop (v2sf)  }
0x1af: {  	v6, _, _ =	vpop (xrf0);
	s5 =	sxor.u32 $0x80000000, s30  }
0x1b0: {  	v6 =	vadd.s32 s5, v6  }
0x1b1: {  	v57 =	vxor.u32 $0x80000000, v6  }
0x1b2: {  	(xrf0) =	vmax.scan.msk.u32 $0xffff, v57;
	_ =	sdelay $0x5  }
0x1b3: {  	v9, _, _ =	vpop (xrf0)  }
0x1b4: {  	(v2sf) =	vpush v9, $0xF;
	_ =	sdelay $0xb  }
0x1b5: {  	v58 =	vld [tilespmem:s4+$0x10C10];
	_ =	sdelay $0x1  }
0x1b6: {  	vm0 =	vlt.s32 v8, v2  }
0x1b7: {  	v7 =	vnsel vm0, $0x0, v7;
	s31 =	spop (v2sf)  }
0x1b8: {  	v5 =	vadd.f32 v7, v5;
	vm1 =	vlt.s32 v6, v2;
	_ =	sfence.sel @p0 $0x180000  }
0x1b9: {  	v2 =	vnsel vm1, $0x0, v58;
	[bflag:$0x0] =	sbarrier.arrive @p0 $0xFFFF  }
0x1ba: {  	v2 =	vadd.f32 v2, v5;
	_ =	strace @p0 $0x90000047  }
0x1bb: {  	v59 =	vnsel vm0, $0x0, v8;
	[bflag:$0x2] =	sbarrier.arrive @p0 $0xFFFF  }
0x1bc: {  	vm2 =	vgt.s32 v4, v59;
	(xrf2) =	vadd.scan.msk.f32 @!p0 $0xffff, v2  }
0x1bd: {  	v60 =	vsel vm2, v4, v59;
	v61 =	vnsel vm1, $0x0, v6  }
0x1be: {  	vm2 =	vgt.s32 v60, v61  }
0x1bf: {  	v62 =	vsel vm0, $0x1, v1;
	v2 =	vsel vm2, v60, v61  }
0x1c0: {  	v3 =	vadd.s32 v62, v3;
	v63 =	vsel vm1, $0x1, v1;
	v2 =	vxor.u32 @!p0 $0x80000000, v2  }
0x1c1: {  	v1 =	vadd.s32 v63, v3;
	(xrf0) =	vmax.scan.msk.u32 @!p0 $0xffff, v2  }
0x1c2: {  	(xrf0) =	vadd.scan.msk.s32 @!p0 $0xffff, v1;
	_ =	sdelay $0x3  }
0x1c3: {  	(v2sf) =	vpush @!p0 v0, $0xF;
	v0, _, _ =	vpop @!p0 (xrf2)  }
0x1c4: {  	v1, _, _ =	vpop @!p0 (xrf0);
	(v2sf) =	vpush @!p0 v0, $0xF  }
0x1c5: {  	v0, _, _ =	vpop @!p0 (xrf0);
	(v2sf) =	vpush @!p0 v1, $0xF  }
0x1c6: {  	(v2sf) =	vpush @!p0 v0, $0xF;
	_ =	sdelay $0x9  }
0x1c7: {  	s7 =	simm.s32 @!p0 $0x11480  }
0x1c8: {  	[tilespmem:s7], [sflag:$0x3] =	stream.linear.gather @!p0 [spmem:s2], $0x80, $0x38;
	[tilespmem:$0x116C8] =	vst v63  }
0x1c9: {  	s4 =	spop @!p0 (v2sf)  }
0x1ca: {  	s5 =	spop @!p0 (v2sf)  }
0x1cb: {  	s6 =	spop @!p0 (v2sf)  }
0x1cc: {  	s8 =	simm.s32 @!p0 $0x3;
	s2 =	spop @!p0 (v2sf)  }
0x1cd: {  	_ =	swait.ge @!p0 [sflag:s8], $0x80  }
0x1ce: {  	[sflag:s8] =	ssyncset.done @!p0 $0x0  }
0x1cf: {  	[sflag:s8] =	ssyncadd.s32 @!p0 $0xFFFFFF80  }
0x1d0: {  	v0 =	vld @!p0 [tilespmem:$0x11480];
	_ =	sdelay $0x4  }
0x1d1: {  	(xrf2) =	vadd.scan.msk.f32 @!p0 $0xffff, v0;
	_ =	sdelay $0x9  }
0x1d2: {  	v0, _, _ =	vpop @!p0 (xrf2)  }
0x1d3: {  	(v2sf) =	vpush @!p0 v0, $0xF;
	_ =	sdelay $0xb  }
0x1d4: {  	s6 =	sxor.u32 @!p0 $0x80000000, s6  }
0x1d5: {  	s3 =	ssub.s32 @!p0 s3, s6  }
0x1d6: {  	s4 =	sshll.u32 @!p0 s4, $0x15;
	s2 =	sshll.u32 @!p0 s2, $0xA;
	s3 =	scvt.s32.f32 @!p0 s3  }
0x1d7: {  	s2 =	sor.u32 @!p0 s4, s2;
	s6 =	spop @!p0 (v2sf)  }
0x1d8: {  	s2 =	smul.f32 @!p0 s3, s2;
	s4 =	sadd.f32 @!p0 s6, s5  }
0x1d9: {  	_ = 	snop  }
0x1da: {  	s2 =	sadd.f32 @!p0 s4, s2;
	_ =	sdelay $0x1  }
0x1db: {  	s2 =	smul.f32 @!p0 $2.119272720e-06, s2;
	_ =	sdelay $0x1  }
0x1dc: {  	v0 =	vmov @!p0 s2  }
0x1dd: {  	s2 =	simm.s32 @!p0 $0x0;
	[tilespmem:$0x11480] =	vst @!p0 v0  }
0x1de: {  	[hbm4b:s1+s2] =	stream.linear.scatter @!p0 [tilespmem:s7], [sflag:$0x3], $0x80, $0x38;
	[tilespmem:$0x116C8] =	vst v63  }
0x1df: {  	_ =	swait.ge @!p0 [sflag:s8], $0x80  }
0x1e0: {  	[sflag:s8] =	ssyncset.done @!p0 $0x0  }
0x1e1: {  	[sflag:s8] =	ssyncadd.s32 @!p0 $0xFFFFFF80  }
0x1e2: {  	_ =	sfence.sel @!p0 $0x180000  }
0x1e3: {  	[bflag:$0x0] =	sbarrier.arrive @!p0 $0xFFFF  }
0x1e4: {  	_ =	strace @!p0 $0x90000047  }
0x1e5: {  	s0 =	sadd.s32 @!p0 $0x100000, s0;
	[bflag:$0x2] =	sbarrier.arrive @!p0 $0xFFFF  }
0x1e6: {  	[sflag:s0] =	ssyncadd.tile.s32 @!p0 $0x1;
	_ =	shalt  }
.Lfunc_end2:
_tile_overlayer_lowered:
.L_overlay_start_2:
0x1e7: {  	(tag) =	ssettag $0x2  }
0x1e8: {  	s0 =	rddreg [dreg:$0x0];
	s2 =	stileid.u32  }
0x1e9: {  	s1 =	rddreg [dreg:$0x1];
	p0 =	sne.s32 s2, $0x0  }
0x1ea: {  	s3 =	rddreg [dreg:$0x2];
	[bflag:$0x3] =	sbarrier.arrive $0xFFFF;
	s2 =	simm.s32 @!p0 $0x1C03  }
0x1eb: {  	[timem:s3], [sflag:s2] =	dma.local @!p0 [hbm:s0], s1  }
0x1ec: {  	s0 =	simm.s32 @!p0 $0x3  }
0x1ed: {  	_ =	swait.ge @!p0 [sflag:s0], s1  }
0x1ee: {  	s1 =	ssub.s32 @!p0 $0x0, s1;
	[sflag:s0] =	ssyncset.done @!p0 $0x0  }
0x1ef: {  	[sflag:s0] =	ssyncadd.s32 @!p0 s1  }
0x1f0: {  	[bflag:$0x3] =	sbarrier.arrive $0xFFFF  }
0x1f1: {  	_ =	shalt  }

</sc_bundles>
